<compile_context>
chip_gen: v7x
topology: tpu7x:2x2x1
jax: 0.10.2.dev20260603
libtpu: 0.0.44.dev20260713+nightly
codegen_flags: <defaults>
</compile_context>

<pallas_src>
import functools

import jax
import jax.numpy as jnp
from jax import lax
from jax.experimental import pallas as pl
from jax.experimental.pallas import tpu as pltpu
from jax.experimental.pallas import tpu_sc as plsc

N = 10000
E = 320000
D = 128
G = 64

NC = 2
NS = 16
NW = NC * NS
CHUNK = 128
NCH = 80
NCH_ALL = NCH + 2
EPT = NCH * CHUNK
EPAD = NW * EPT
NPAD = 10240
RPT = NPAD // NS
NB = NPAD // 128
F32 = jnp.float32


def _deg_body(idx_hbm, zeros_hbm, out_hbm, ring, deg_v, isem_a, isem_b):
    c = lax.axis_index("c")
    s = lax.axis_index("s")
    wid = s * NC + c
    pltpu.sync_copy(zeros_hbm, deg_v)
    ones = jnp.full((16,), 1.0, F32)

    pltpu.async_copy(idx_hbm.at[wid, 0], ring.at[0], isem_a)
    pltpu.async_copy(idx_hbm.at[wid, 1], ring.at[1], isem_b)

    def pair(i, carry):
        j0 = 2 * i
        for b, isem in ((0, isem_a), (1, isem_b)):
            j = j0 + b
            pltpu.make_async_copy(idx_hbm.at[wid, 0], ring.at[b], isem).wait()
            for k in range(CHUNK // 16):
                idxv = ring[b, 1, pl.ds(k * 16, 16)]
                plsc.addupdate_scatter(deg_v, [idxv], ones)
            pltpu.async_copy(idx_hbm.at[wid, j + 2], ring.at[b], isem)
        return carry

    lax.fori_loop(0, NCH // 2, pair, 0)
    pltpu.make_async_copy(idx_hbm.at[wid, 0], ring.at[0], isem_a).wait()
    pltpu.make_async_copy(idx_hbm.at[wid, 0], ring.at[1], isem_b).wait()
    pltpu.sync_copy(deg_v, out_hbm.at[wid])


@functools.cache
def _deg_kernel():
    return pl.kernel(
        _deg_body,
        out_type=jax.ShapeDtypeStruct((NW, NPAD), F32),
        mesh=plsc.VectorSubcoreMesh(core_axis_name="c", subcore_axis_name="s",
                                    num_cores=NC, num_subcores=NS),
        scratch_types=[
            pltpu.VMEM((2, 2, CHUNK), jnp.int32),
            pltpu.VMEM((NPAD,), F32),
            pltpu.SemaphoreType.DMA,
            pltpu.SemaphoreType.DMA,
        ],
        compiler_params=pltpu.CompilerParams(needs_layout_passes=False),
    )


def _agg_body(p_hbm, idx_hbm, zeros_hbm, out_hbm,
              ring, buf_a, buf_b, isem_a, isem_b, sem_a, sem_b, agg_s):
    c = lax.axis_index("c")
    s = lax.axis_index("s")
    wid = s * NC + c
    rows = pl.ds(s * RPT, RPT)
    pltpu.sync_copy(zeros_hbm.at[rows], agg_s.at[rows])
    plsc.subcore_barrier()

    pltpu.async_copy(idx_hbm.at[wid, 0], ring.at[0], isem_a)
    pltpu.async_copy(idx_hbm.at[wid, 1], ring.at[1], isem_b)
    pltpu.make_async_copy(idx_hbm.at[wid, 0], ring.at[0], isem_a).wait()
    pltpu.async_copy(p_hbm.at[ring.at[0, 0]], buf_a, sem_a)
    pltpu.make_async_copy(idx_hbm.at[wid, 1], ring.at[1], isem_b).wait()
    pltpu.async_copy(p_hbm.at[ring.at[1, 0]], buf_b, sem_b)

    def pair(i, carry):
        j0 = 2 * i
        for b, (buf, sem, isem) in enumerate(
                ((buf_a, sem_a, isem_a), (buf_b, sem_b, isem_b))):
            j = j0 + b
            pltpu.make_async_copy(p_hbm.at[pl.ds(0, CHUNK)], buf, sem).wait()
            pltpu.async_copy(idx_hbm.at[wid, j + 2], ring.at[b], isem)
            pltpu.sync_copy(buf, agg_s.at[ring.at[b, 1]], add=True)
            pltpu.make_async_copy(idx_hbm.at[wid, 0], ring.at[b], isem).wait()
            pltpu.async_copy(p_hbm.at[ring.at[b, 0]], buf, sem)
        return carry

    lax.fori_loop(0, NCH // 2, pair, 0)
    pltpu.make_async_copy(p_hbm.at[pl.ds(0, CHUNK)], buf_a, sem_a).wait()
    pltpu.make_async_copy(p_hbm.at[pl.ds(0, CHUNK)], buf_b, sem_b).wait()
    plsc.subcore_barrier()
    pltpu.sync_copy(agg_s.at[rows], out_hbm.at[c, rows])


@functools.cache
def _agg_kernel():
    return pl.kernel(
        _agg_body,
        out_type=jax.ShapeDtypeStruct((NC, NPAD, D), F32),
        mesh=plsc.VectorSubcoreMesh(core_axis_name="c", subcore_axis_name="s",
                                    num_cores=NC, num_subcores=NS),
        scratch_types=[
            pltpu.VMEM((2, 2, CHUNK), jnp.int32),
            pltpu.VMEM((CHUNK, D), F32),
            pltpu.VMEM((CHUNK, D), F32),
            pltpu.SemaphoreType.DMA,
            pltpu.SemaphoreType.DMA,
            pltpu.SemaphoreType.DMA,
            pltpu.SemaphoreType.DMA,
            pltpu.VMEM_SHARED((NPAD, D), F32),
        ],
    )


BR = 1024
NBR = NPAD // BR


def _row_mask(i):
    r = i * BR + lax.broadcasted_iota(jnp.int32, (BR, 1), 0)
    return r < N


def _pre_body(x_ref, w_ref, deg_ref, o_ref, dis_ref):
    i = pl.program_id(0)
    h = jnp.dot(x_ref[...], w_ref[...], preferred_element_type=F32)
    deg = jnp.sum(deg_ref[...], axis=0) + 1.0
    dis_row = lax.rsqrt(deg).reshape(1, BR)
    dis = jnp.transpose(dis_row, (1, 0))
    dis_ref[...] = jnp.broadcast_to(dis, (BR, D))
    o_ref[...] = jnp.where(_row_mask(i), h * dis, 0.0)


_pre_kernel = pl.pallas_call(
    _pre_body,
    grid=(NBR,),
    in_specs=[
        pl.BlockSpec((BR, D), lambda i: (i, 0)),
        pl.BlockSpec((D, D), lambda i: (0, 0)),
        pl.BlockSpec((NW, BR), lambda i: (0, i)),
    ],
    out_specs=[
        pl.BlockSpec((BR, D), lambda i: (i, 0)),
        pl.BlockSpec((BR, D), lambda i: (i, 0)),
    ],
    out_shape=[
        jax.ShapeDtypeStruct((NPAD, D), F32),
        jax.ShapeDtypeStruct((NPAD, D), F32),
    ],
)


def _mid_body(agg_ref, p1_ref, dis_ref, w_ref, b_ref, o_ref):
    i = pl.program_id(0)
    dis = dis_ref[...]
    a = agg_ref[0] + agg_ref[1] + p1_ref[...]
    h1 = jnp.maximum(a * dis + b_ref[...], 0.0)
    p2 = jnp.dot(h1, w_ref[...], preferred_element_type=F32) * dis
    o_ref[...] = jnp.where(_row_mask(i), p2, 0.0)


_mid_kernel = pl.pallas_call(
    _mid_body,
    grid=(NBR,),
    in_specs=[
        pl.BlockSpec((NC, BR, D), lambda i: (0, i, 0)),
        pl.BlockSpec((BR, D), lambda i: (i, 0)),
        pl.BlockSpec((BR, D), lambda i: (i, 0)),
        pl.BlockSpec((D, D), lambda i: (0, 0)),
        pl.BlockSpec((1, D), lambda i: (0, 0)),
    ],
    out_specs=pl.BlockSpec((BR, D), lambda i: (i, 0)),
    out_shape=jax.ShapeDtypeStruct((NPAD, D), F32),
)


def _post_body(agg_ref, p2_ref, dis_ref, b_ref, batch_ref, wfc_ref, bfc_ref,
               o_ref, acc, cnt):
    i = pl.program_id(0)

    @pl.when(i == 0)
    def _():
        acc[...] = jnp.zeros((G, D), F32)
        cnt[...] = jnp.zeros((G, 1), F32)

    a = agg_ref[0] + agg_ref[1] + p2_ref[...]
    h2 = jnp.maximum(a * dis_ref[...] + b_ref[...], 0.0)
    bb = batch_ref[0, 0, :]
    oht = (bb[None, :] == lax.broadcasted_iota(jnp.int32, (G, BR), 0))
    oht = oht.astype(F32)
    acc[...] += jnp.dot(oht, h2, preferred_element_type=F32)
    cnt[...] += jnp.sum(oht, axis=1, keepdims=True)

    @pl.when(i == NBR - 1)
    def _():
        pooled = acc[...] / jnp.maximum(cnt[...], 1.0)
        z = jnp.sum(pooled * wfc_ref[...], axis=1, keepdims=True)
        z = z + bfc_ref[0, 0]
        o_ref[...] = 1.0 / (1.0 + jnp.exp(-z))


_post_kernel = pl.pallas_call(
    _post_body,
    grid=(NBR,),
    in_specs=[
        pl.BlockSpec((NC, BR, D), lambda i: (0, i, 0)),
        pl.BlockSpec((BR, D), lambda i: (i, 0)),
        pl.BlockSpec((BR, D), lambda i: (i, 0)),
        pl.BlockSpec((1, D), lambda i: (0, 0)),
        pl.BlockSpec((1, 1, BR), lambda i: (i, 0, 0)),
        pl.BlockSpec((1, D), lambda i: (0, 0)),
        pl.BlockSpec((1, 1), lambda i: (0, 0)),
    ],
    out_specs=pl.BlockSpec((G, 1), lambda i: (0, 0)),
    out_shape=jax.ShapeDtypeStruct((G, 1), F32),
    scratch_shapes=[pltpu.VMEM((G, D), F32), pltpu.VMEM((G, 1), F32)],
)


def _pad_edges(edge_index):
    npad = EPAD - E
    pad = N + (jnp.arange(npad, dtype=jnp.int32) % (NPAD - N))
    main = jnp.stack(
        [jnp.concatenate([edge_index[0], pad]).reshape(NW, NCH, CHUNK),
         jnp.concatenate([edge_index[1], pad]).reshape(NW, NCH, CHUNK)],
        axis=2)
    dummy = (N + (jnp.arange(NW * 2 * 2 * CHUNK, dtype=jnp.int32)
                  % (NPAD - N))).reshape(NW, 2, 2, CHUNK)
    return jnp.concatenate([main, dummy], axis=1)


def kernel(x, edge_index, batch, W1, b1, W2, b2, Wfc, bfc):
    idx3 = _pad_edges(edge_index)
    x_pad = jnp.pad(x, ((0, NPAD - N), (0, 0)))
    batch3 = jnp.concatenate(
        [batch, jnp.full((NPAD - N,), G, jnp.int32)]).reshape(NBR, 1, BR)
    zeros_n = jnp.zeros((NPAD,), F32)
    zeros_d = jnp.zeros((NPAD, D), F32)
    b1r = b1.reshape(1, D)
    b2r = b2.reshape(1, D)
    wfc_t = Wfc.reshape(1, D)
    bfc_r = bfc.reshape(1, 1)

    deg8 = _deg_kernel()(idx3, zeros_n)
    p1, disr = _pre_kernel(x_pad, W1, deg8)
    agg1 = _agg_kernel()(p1, idx3, zeros_d)
    p2 = _mid_kernel(agg1, p1, disr, W2, b1r)
    agg2 = _agg_kernel()(p2, idx3, zeros_d)
    return _post_kernel(agg2, p2, disr, b2r, batch3, wfc_t, bfc_r)

# --- scband reference (transcript-rebuilt; emitter-appended) ---
"""Pipeline reference for scband-gcn-8177617732163 (READ-ONLY COPY).

The authoritative reference and input builder live on the scoring server;
editing this copy changes nothing except your own understanding.
"""

import jax, jax.numpy as jnp
import numpy as np

N = 10000
E = 320000
D_IN = 128
D_HID = 128
D_OUT = 1
G = 64


def setup_inputs(seed: int = 0) -> dict:
    key = jax.random.key(seed)
    ks = jax.random.split(key, 10)
    x = jax.random.normal(ks[0], (N, D_IN), dtype=jnp.float32)
    edge_index = jax.random.randint(ks[1], (2, E), 0, N, dtype=jnp.int32)
    batch = jnp.sort(jax.random.randint(ks[2], (N,), 0, G, dtype=jnp.int32))
    s1 = 1.0 / np.sqrt(D_IN)
    s2 = 1.0 / np.sqrt(D_HID)
    W1 = jax.random.uniform(ks[3], (D_IN, D_HID), jnp.float32, -s1, s1)
    b1 = jax.random.uniform(ks[4], (D_HID,), jnp.float32, -s1, s1)
    W2 = jax.random.uniform(ks[5], (D_HID, D_HID), jnp.float32, -s2, s2)
    b2 = jax.random.uniform(ks[6], (D_HID,), jnp.float32, -s2, s2)
    Wfc = jax.random.uniform(ks[7], (D_HID, D_OUT), jnp.float32, -s2, s2)
    bfc = jax.random.uniform(ks[8], (D_OUT,), jnp.float32, -s2, s2)
    return {"x": x, "edge_index": edge_index, "batch": batch,
            "W1": W1, "b1": b1, "W2": W2, "b2": b2, "Wfc": Wfc, "bfc": bfc}


def _gcn_conv(x, src, dst, W, b):
    n = x.shape[0]
    deg = jnp.zeros((n,), dtype=jnp.float32).at[dst].add(1.0)
    dis = jnp.where(deg > 0, 1.0 / jnp.sqrt(jnp.maximum(deg, 1.0)), 0.0)
    norm = dis[src] * dis[dst]
    h = x @ W
    msg = h[src] * norm[:, None]
    out = jnp.zeros((n, W.shape[1]), dtype=jnp.float32).at[dst].add(msg)
    return out + b


def reference(x, edge_index, batch, W1, b1, W2, b2, Wfc, bfc):
    loops = jnp.arange(N, dtype=edge_index.dtype)
    src = jnp.concatenate([edge_index[0], loops])
    dst = jnp.concatenate([edge_index[1], loops])
    h = jax.nn.relu(_gcn_conv(x, src, dst, W1, b1))
    h = jax.nn.relu(_gcn_conv(h, src, dst, W2, b2))
    sums = jax.ops.segment_sum(h, batch, num_segments=G)
    counts = jax.ops.segment_sum(jnp.ones((N,), dtype=jnp.float32), batch, num_segments=G)
    pooled = sums / jnp.maximum(counts, 1.0)[:, None]
    return jax.nn.sigmoid(pooled @ Wfc + bfc)

if __name__ == "__main__":
    import jax
    _d = setup_inputs()
    print(jax.jit(kernel)(*tuple(_d.values())))

</pallas_src>

<mosaic_0001>
#map = affine_map<(d0, d1) -> (0, 0, 0, 0)>
#map1 = affine_map<(d0, d1) -> (0)>
#map2 = affine_map<(d0, d1) -> (0, 0)>
module attributes {stable_mosaic.version = 14 : i64} {
  func.func @_deg_body(%arg0: i32, %arg1: i32, %arg2: memref<32x82x2x128xi32, #tpu.memory_space<hbm>>, %arg3: memref<10240xf32, #tpu.memory_space<hbm>>, %arg4: memref<32x10240xf32, #tpu.memory_space<hbm>>, %arg5: memref<2x2x128xi32, #tpu.memory_space<vmem>>, %arg6: memref<10240xf32, #tpu.memory_space<vmem>>, %arg7: memref<!tpu.dma_semaphore, #tpu.memory_space<semaphore_mem>>, %arg8: memref<!tpu.dma_semaphore, #tpu.memory_space<semaphore_mem>>) attributes {dimension_semantics = [#tpu.dimension_semantics<core_parallel>, #tpu.dimension_semantics<subcore_parallel>], iteration_bounds = array<i64: 2, 16>, scalar_prefetch = 0 : i64, scratch_operands = 4 : i64, tpu.core_type = #tpu.core_type<sc_vector_subcore>, window_params = [{transform_indices = #map}, {transform_indices = #map1}, {transform_indices = #map2}]} {
    %mul3A = arith.constant 2 : i32
    %mul3A_0 = arith.muli %arg1, %mul3A : i32
    %add3A = arith.addi %mul3A_0, %arg0 : i32
    "tpu.region"() ({
      %run_scoped3A = tpu.sem_alloc : memref<!tpu.dma_semaphore, #tpu.memory_space<semaphore_mem>>
      tpu.enqueue_dma source(%arg3 : memref<10240xf32, #tpu.memory_space<hbm>>) target(%arg6 : memref<10240xf32, #tpu.memory_space<vmem>>) target_semaphore(%run_scoped3A : memref<!tpu.dma_semaphore, #tpu.memory_space<semaphore_mem>>)
      tpu.wait_dma2 semaphore(%run_scoped3A : memref<!tpu.dma_semaphore, #tpu.memory_space<semaphore_mem>>) src(%arg3 : memref<10240xf32, #tpu.memory_space<hbm>>) dst(%arg6 : memref<10240xf32, #tpu.memory_space<vmem>>)
      tpu.yield
    }) : () -> ()
    %broadcast_in_dim3A = arith.constant 1.000000e+00 : f32
    %broadcast_in_dim3A_1 = vector.broadcast %broadcast_in_dim3A : f32 to vector<16xf32>
    %dma_start3A = arith.constant 0 : i32
    %dma_start3A_2 = arith.constant 0 : i32
    %dma_start3A_3 = arith.constant 0 : i32
    %dma_start3A_4 = arith.constant 0 : i32
    %dma_start3A_5 = tpu.memref_slice %arg5[%dma_start3A_2, %dma_start3A_3, %dma_start3A_4] : memref<2x2x128xi32, #tpu.memory_space<vmem>> -> memref<1x2x128xi32, #tpu.memory_space<vmem>>
    %dma_start3A_6 = tpu.memref_squeeze %dma_start3A_5 : memref<1x2x128xi32, #tpu.memory_space<vmem>> -> memref<2x128xi32, #tpu.memory_space<vmem>>
    %dma_start3A_7 = arith.constant 0 : i32
    %dma_start3A_8 = arith.constant 0 : i32
    %dma_start3A_9 = tpu.memref_slice %arg2[%add3A, %dma_start3A, %dma_start3A_7, %dma_start3A_8] : memref<32x82x2x128xi32, #tpu.memory_space<hbm>> -> memref<1x1x2x128xi32, #tpu.memory_space<hbm>>
    %dma_start3A_10 = tpu.memref_squeeze %dma_start3A_9 : memref<1x1x2x128xi32, #tpu.memory_space<hbm>> -> memref<2x128xi32, #tpu.memory_space<hbm>>
    %dma_start3A_11 = arith.constant 0 : i32
    %dma_start3A_12 = arith.constant 0 : i32
    %dma_start3A_13 = tpu.memref_slice %arg5[%dma_start3A_2, %dma_start3A_11, %dma_start3A_12] : memref<2x2x128xi32, #tpu.memory_space<vmem>> -> memref<1x2x128xi32, #tpu.memory_space<vmem>>
    %dma_start3A_14 = tpu.memref_squeeze %dma_start3A_13 : memref<1x2x128xi32, #tpu.memory_space<vmem>> -> memref<2x128xi32, #tpu.memory_space<vmem>>
    %dma_start3A_15 = arith.constant 0 : i32
    %dma_start3A_16 = arith.constant 0 : i32
    %dma_start3A_17 = tpu.memref_slice %arg2[%add3A, %dma_start3A, %dma_start3A_15, %dma_start3A_16] : memref<32x82x2x128xi32, #tpu.memory_space<hbm>> -> memref<1x1x2x128xi32, #tpu.memory_space<hbm>>
    %dma_start3A_18 = tpu.memref_squeeze %dma_start3A_17 : memref<1x1x2x128xi32, #tpu.memory_space<hbm>> -> memref<2x128xi32, #tpu.memory_space<hbm>>
    tpu.enqueue_dma source(%dma_start3A_18 : memref<2x128xi32, #tpu.memory_space<hbm>>) target(%dma_start3A_14 : memref<2x128xi32, #tpu.memory_space<vmem>>) target_semaphore(%arg7 : memref<!tpu.dma_semaphore, #tpu.memory_space<semaphore_mem>>)
    %dma_start3A_19 = arith.constant 1 : i32
    %dma_start3A_20 = arith.constant 1 : i32
    %dma_start3A_21 = arith.constant 0 : i32
    %dma_start3A_22 = arith.constant 0 : i32
    %dma_start3A_23 = tpu.memref_slice %arg5[%dma_start3A_20, %dma_start3A_21, %dma_start3A_22] : memref<2x2x128xi32, #tpu.memory_space<vmem>> -> memref<1x2x128xi32, #tpu.memory_space<vmem>>
    %dma_start3A_24 = tpu.memref_squeeze %dma_start3A_23 : memref<1x2x128xi32, #tpu.memory_space<vmem>> -> memref<2x128xi32, #tpu.memory_space<vmem>>
    %dma_start3A_25 = arith.constant 0 : i32
    %dma_start3A_26 = arith.constant 0 : i32
    %dma_start3A_27 = tpu.memref_slice %arg2[%add3A, %dma_start3A_19, %dma_start3A_25, %dma_start3A_26] : memref<32x82x2x128xi32, #tpu.memory_space<hbm>> -> memref<1x1x2x128xi32, #tpu.memory_space<hbm>>
    %dma_start3A_28 = tpu.memref_squeeze %dma_start3A_27 : memref<1x1x2x128xi32, #tpu.memory_space<hbm>> -> memref<2x128xi32, #tpu.memory_space<hbm>>
    %dma_start3A_29 = arith.constant 0 : i32
    %dma_start3A_30 = arith.constant 0 : i32
    %dma_start3A_31 = tpu.memref_slice %arg5[%dma_start3A_20, %dma_start3A_29, %dma_start3A_30] : memref<2x2x128xi32, #tpu.memory_space<vmem>> -> memref<1x2x128xi32, #tpu.memory_space<vmem>>
    %dma_start3A_32 = tpu.memref_squeeze %dma_start3A_31 : memref<1x2x128xi32, #tpu.memory_space<vmem>> -> memref<2x128xi32, #tpu.memory_space<vmem>>
    %dma_start3A_33 = arith.constant 0 : i32
    %dma_start3A_34 = arith.constant 0 : i32
    %dma_start3A_35 = tpu.memref_slice %arg2[%add3A, %dma_start3A_19, %dma_start3A_33, %dma_start3A_34] : memref<32x82x2x128xi32, #tpu.memory_space<hbm>> -> memref<1x1x2x128xi32, #tpu.memory_space<hbm>>
    %dma_start3A_36 = tpu.memref_squeeze %dma_start3A_35 : memref<1x1x2x128xi32, #tpu.memory_space<hbm>> -> memref<2x128xi32, #tpu.memory_space<hbm>>
    tpu.enqueue_dma source(%dma_start3A_36 : memref<2x128xi32, #tpu.memory_space<hbm>>) target(%dma_start3A_32 : memref<2x128xi32, #tpu.memory_space<vmem>>) target_semaphore(%arg8 : memref<!tpu.dma_semaphore, #tpu.memory_space<semaphore_mem>>)
    %scan3A = arith.constant 0 : i32
    %scan3A_37 = arith.constant 0 : i32
    %scan3A_38 = arith.constant 40 : i32
    %scan3A_39 = arith.addi %scan3A_37, %scan3A_38 : i32
    %scan3A_40 = arith.constant 1 : i32
    scf.for %scan3A_77 = %scan3A_37 to %scan3A_39 step %scan3A_40  : i32 {
      %mul3A_78 = arith.constant 2 : i32
      %mul3A_79 = arith.muli %mul3A_78, %scan3A_77 : i32
      %add3A_80 = arith.constant 0 : i32
      %add3A_81 = arith.addi %mul3A_79, %add3A_80 : i32
      %dma_wait3A_82 = arith.constant 0 : i32
      %dma_wait3A_83 = arith.constant 0 : i32
      %dma_wait3A_84 = arith.constant 0 : i32
      %dma_wait3A_85 = arith.constant 0 : i32
      %dma_wait3A_86 = tpu.memref_slice %arg5[%dma_wait3A_83, %dma_wait3A_84, %dma_wait3A_85] : memref<2x2x128xi32, #tpu.memory_space<vmem>> -> memref<1x2x128xi32, #tpu.memory_space<vmem>>
      %dma_wait3A_87 = tpu.memref_squeeze %dma_wait3A_86 : memref<1x2x128xi32, #tpu.memory_space<vmem>> -> memref<2x128xi32, #tpu.memory_space<vmem>>
      %dma_wait3A_88 = arith.constant 0 : i32
      %dma_wait3A_89 = arith.constant 0 : i32
      %dma_wait3A_90 = tpu.memref_slice %arg2[%add3A, %dma_wait3A_82, %dma_wait3A_88, %dma_wait3A_89] : memref<32x82x2x128xi32, #tpu.memory_space<hbm>> -> memref<1x1x2x128xi32, #tpu.memory_space<hbm>>
      %dma_wait3A_91 = tpu.memref_squeeze %dma_wait3A_90 : memref<1x1x2x128xi32, #tpu.memory_space<hbm>> -> memref<2x128xi32, #tpu.memory_space<hbm>>
      %dma_wait3A_92 = arith.constant 0 : i32
      %dma_wait3A_93 = arith.constant 0 : i32
      %dma_wait3A_94 = tpu.memref_slice %arg5[%dma_wait3A_83, %dma_wait3A_92, %dma_wait3A_93] : memref<2x2x128xi32, #tpu.memory_space<vmem>> -> memref<1x2x128xi32, #tpu.memory_space<vmem>>
      %dma_wait3A_95 = tpu.memref_squeeze %dma_wait3A_94 : memref<1x2x128xi32, #tpu.memory_space<vmem>> -> memref<2x128xi32, #tpu.memory_space<vmem>>
      %dma_wait3A_96 = arith.constant 0 : i32
      %dma_wait3A_97 = arith.constant 0 : i32
      %dma_wait3A_98 = tpu.memref_slice %arg2[%add3A, %dma_wait3A_82, %dma_wait3A_96, %dma_wait3A_97] : memref<32x82x2x128xi32, #tpu.memory_space<hbm>> -> memref<1x1x2x128xi32, #tpu.memory_space<hbm>>
      %dma_wait3A_99 = tpu.memref_squeeze %dma_wait3A_98 : memref<1x1x2x128xi32, #tpu.memory_space<hbm>> -> memref<2x128xi32, #tpu.memory_space<hbm>>
      tpu.wait_dma2 semaphore(%arg7 : memref<!tpu.dma_semaphore, #tpu.memory_space<semaphore_mem>>) src(%dma_wait3A_99 : memref<2x128xi32, #tpu.memory_space<hbm>>) dst(%dma_wait3A_95 : memref<2x128xi32, #tpu.memory_space<vmem>>)
      %get3A = arith.constant 0 : i32
      %get3A_100 = arith.constant 1 : i32
      %get3A_101 = arith.index_cast %get3A : i32 to index
      %get3A_102 = arith.index_cast %get3A_100 : i32 to index
      %get3A_103 = arith.constant 0 : index
      %get3A_104 = tpu.vector_load %arg5[%get3A_101, %get3A_102, %get3A_103] {strides = array<i32>} : memref<2x2x128xi32, #tpu.memory_space<vmem>>, vector<16xi32>,
      tpu.vector_store_idx %arg6[%get3A_104], %broadcast_in_dim3A_1 {add = true} : memref<10240xf32, #tpu.memory_space<vmem>>[vector<16xi32>], vector<16xf32>,
      %get3A_105 = arith.constant 0 : i32
      %get3A_106 = arith.constant 1 : i32
      %get3A_107 = arith.index_cast %get3A_105 : i32 to index
      %get3A_108 = arith.index_cast %get3A_106 : i32 to index
      %get3A_109 = arith.constant 16 : index
      %get3A_110 = tpu.vector_load %arg5[%get3A_107, %get3A_108, %get3A_109] {strides = array<i32>} : memref<2x2x128xi32, #tpu.memory_space<vmem>>, vector<16xi32>,
      tpu.vector_store_idx %arg6[%get3A_110], %broadcast_in_dim3A_1 {add = true} : memref<10240xf32, #tpu.memory_space<vmem>>[vector<16xi32>], vector<16xf32>,
      %get3A_111 = arith.constant 0 : i32
      %get3A_112 = arith.constant 1 : i32
      %get3A_113 = arith.index_cast %get3A_111 : i32 to index
      %get3A_114 = arith.index_cast %get3A_112 : i32 to index
      %get3A_115 = arith.constant 32 : index
      %get3A_116 = tpu.vector_load %arg5[%get3A_113, %get3A_114, %get3A_115] {strides = array<i32>} : memref<2x2x128xi32, #tpu.memory_space<vmem>>, vector<16xi32>,
      tpu.vector_store_idx %arg6[%get3A_116], %broadcast_in_dim3A_1 {add = true} : memref<10240xf32, #tpu.memory_space<vmem>>[vector<16xi32>], vector<16xf32>,
      %get3A_117 = arith.constant 0 : i32
      %get3A_118 = arith.constant 1 : i32
      %get3A_119 = arith.index_cast %get3A_117 : i32 to index
      %get3A_120 = arith.index_cast %get3A_118 : i32 to index
      %get3A_121 = arith.constant 48 : index
      %get3A_122 = tpu.vector_load %arg5[%get3A_119, %get3A_120, %get3A_121] {strides = array<i32>} : memref<2x2x128xi32, #tpu.memory_space<vmem>>, vector<16xi32>,
      tpu.vector_store_idx %arg6[%get3A_122], %broadcast_in_dim3A_1 {add = true} : memref<10240xf32, #tpu.memory_space<vmem>>[vector<16xi32>], vector<16xf32>,
      %get3A_123 = arith.constant 0 : i32
      %get3A_124 = arith.constant 1 : i32
      %get3A_125 = arith.index_cast %get3A_123 : i32 to index
      %get3A_126 = arith.index_cast %get3A_124 : i32 to index
      %get3A_127 = arith.constant 64 : index
      %get3A_128 = tpu.vector_load %arg5[%get3A_125, %get3A_126, %get3A_127] {strides = array<i32>} : memref<2x2x128xi32, #tpu.memory_space<vmem>>, vector<16xi32>,
      tpu.vector_store_idx %arg6[%get3A_128], %broadcast_in_dim3A_1 {add = true} : memref<10240xf32, #tpu.memory_space<vmem>>[vector<16xi32>], vector<16xf32>,
      %get3A_129 = arith.constant 0 : i32
      %get3A_130 = arith.constant 1 : i32
      %get3A_131 = arith.index_cast %get3A_129 : i32 to index
      %get3A_132 = arith.index_cast %get3A_130 : i32 to index
      %get3A_133 = arith.constant 80 : index
      %get3A_134 = tpu.vector_load %arg5[%get3A_131, %get3A_132, %get3A_133] {strides = array<i32>} : memref<2x2x128xi32, #tpu.memory_space<vmem>>, vector<16xi32>,
      tpu.vector_store_idx %arg6[%get3A_134], %broadcast_in_dim3A_1 {add = true} : memref<10240xf32, #tpu.memory_space<vmem>>[vector<16xi32>], vector<16xf32>,
      %get3A_135 = arith.constant 0 : i32
      %get3A_136 = arith.constant 1 : i32
      %get3A_137 = arith.index_cast %get3A_135 : i32 to index
      %get3A_138 = arith.index_cast %get3A_136 : i32 to index
      %get3A_139 = arith.constant 96 : index
      %get3A_140 = tpu.vector_load %arg5[%get3A_137, %get3A_138, %get3A_139] {strides = array<i32>} : memref<2x2x128xi32, #tpu.memory_space<vmem>>, vector<16xi32>,
      tpu.vector_store_idx %arg6[%get3A_140], %broadcast_in_dim3A_1 {add = true} : memref<10240xf32, #tpu.memory_space<vmem>>[vector<16xi32>], vector<16xf32>,
      %get3A_141 = arith.constant 0 : i32
      %get3A_142 = arith.constant 1 : i32
      %get3A_143 = arith.index_cast %get3A_141 : i32 to index
      %get3A_144 = arith.index_cast %get3A_142 : i32 to index
      %get3A_145 = arith.constant 112 : index
      %get3A_146 = tpu.vector_load %arg5[%get3A_143, %get3A_144, %get3A_145] {strides = array<i32>} : memref<2x2x128xi32, #tpu.memory_space<vmem>>, vector<16xi32>,
      tpu.vector_store_idx %arg6[%get3A_146], %broadcast_in_dim3A_1 {add = true} : memref<10240xf32, #tpu.memory_space<vmem>>[vector<16xi32>], vector<16xf32>,
      %add3A_147 = arith.constant 2 : i32
      %add3A_148 = arith.addi %add3A_81, %add3A_147 : i32
      %dma_start3A_149 = arith.constant 0 : i32
      %dma_start3A_150 = arith.constant 0 : i32
      %dma_start3A_151 = arith.constant 0 : i32
      %dma_start3A_152 = tpu.memref_slice %arg5[%dma_start3A_149, %dma_start3A_150, %dma_start3A_151] : memref<2x2x128xi32, #tpu.memory_space<vmem>> -> memref<1x2x128xi32, #tpu.memory_space<vmem>>
      %dma_start3A_153 = tpu.memref_squeeze %dma_start3A_152 : memref<1x2x128xi32, #tpu.memory_space<vmem>> -> memref<2x128xi32, #tpu.memory_space<vmem>>
      %dma_start3A_154 = arith.constant 0 : i32
      %dma_start3A_155 = arith.constant 0 : i32
      %dma_start3A_156 = tpu.memref_slice %arg2[%add3A, %add3A_148, %dma_start3A_154, %dma_start3A_155] : memref<32x82x2x128xi32, #tpu.memory_space<hbm>> -> memref<1x1x2x128xi32, #tpu.memory_space<hbm>>
      %dma_start3A_157 = tpu.memref_squeeze %dma_start3A_156 : memref<1x1x2x128xi32, #tpu.memory_space<hbm>> -> memref<2x128xi32, #tpu.memory_space<hbm>>
      %dma_start3A_158 = arith.constant 0 : i32
      %dma_start3A_159 = arith.constant 0 : i32
      %dma_start3A_160 = tpu.memref_slice %arg5[%dma_start3A_149, %dma_start3A_158, %dma_start3A_159] : memref<2x2x128xi32, #tpu.memory_space<vmem>> -> memref<1x2x128xi32, #tpu.memory_space<vmem>>
      %dma_start3A_161 = tpu.memref_squeeze %dma_start3A_160 : memref<1x2x128xi32, #tpu.memory_space<vmem>> -> memref<2x128xi32, #tpu.memory_space<vmem>>
      %dma_start3A_162 = arith.constant 0 : i32
      %dma_start3A_163 = arith.constant 0 : i32
      %dma_start3A_164 = tpu.memref_slice %arg2[%add3A, %add3A_148, %dma_start3A_162, %dma_start3A_163] : memref<32x82x2x128xi32, #tpu.memory_space<hbm>> -> memref<1x1x2x128xi32, #tpu.memory_space<hbm>>
      %dma_start3A_165 = tpu.memref_squeeze %dma_start3A_164 : memref<1x1x2x128xi32, #tpu.memory_space<hbm>> -> memref<2x128xi32, #tpu.memory_space<hbm>>
      tpu.enqueue_dma source(%dma_start3A_165 : memref<2x128xi32, #tpu.memory_space<hbm>>) target(%dma_start3A_161 : memref<2x128xi32, #tpu.memory_space<vmem>>) target_semaphore(%arg7 : memref<!tpu.dma_semaphore, #tpu.memory_space<semaphore_mem>>)
      %add3A_166 = arith.constant 1 : i32
      %add3A_167 = arith.addi %mul3A_79, %add3A_166 : i32
      %dma_wait3A_168 = arith.constant 0 : i32
      %dma_wait3A_169 = arith.constant 1 : i32
      %dma_wait3A_170 = arith.constant 0 : i32
      %dma_wait3A_171 = arith.constant 0 : i32
      %dma_wait3A_172 = tpu.memref_slice %arg5[%dma_wait3A_169, %dma_wait3A_170, %dma_wait3A_171] : memref<2x2x128xi32, #tpu.memory_space<vmem>> -> memref<1x2x128xi32, #tpu.memory_space<vmem>>
      %dma_wait3A_173 = tpu.memref_squeeze %dma_wait3A_172 : memref<1x2x128xi32, #tpu.memory_space<vmem>> -> memref<2x128xi32, #tpu.memory_space<vmem>>
      %dma_wait3A_174 = arith.constant 0 : i32
      %dma_wait3A_175 = arith.constant 0 : i32
      %dma_wait3A_176 = tpu.memref_slice %arg2[%add3A, %dma_wait3A_168, %dma_wait3A_174, %dma_wait3A_175] : memref<32x82x2x128xi32, #tpu.memory_space<hbm>> -> memref<1x1x2x128xi32, #tpu.memory_space<hbm>>
      %dma_wait3A_177 = tpu.memref_squeeze %dma_wait3A_176 : memref<1x1x2x128xi32, #tpu.memory_space<hbm>> -> memref<2x128xi32, #tpu.memory_space<hbm>>
      %dma_wait3A_178 = arith.constant 0 : i32
      %dma_wait3A_179 = arith.constant 0 : i32
      %dma_wait3A_180 = tpu.memref_slice %arg5[%dma_wait3A_169, %dma_wait3A_178, %dma_wait3A_179] : memref<2x2x128xi32, #tpu.memory_space<vmem>> -> memref<1x2x128xi32, #tpu.memory_space<vmem>>
      %dma_wait3A_181 = tpu.memref_squeeze %dma_wait3A_180 : memref<1x2x128xi32, #tpu.memory_space<vmem>> -> memref<2x128xi32, #tpu.memory_space<vmem>>
      %dma_wait3A_182 = arith.constant 0 : i32
      %dma_wait3A_183 = arith.constant 0 : i32
      %dma_wait3A_184 = tpu.memref_slice %arg2[%add3A, %dma_wait3A_168, %dma_wait3A_182, %dma_wait3A_183] : memref<32x82x2x128xi32, #tpu.memory_space<hbm>> -> memref<1x1x2x128xi32, #tpu.memory_space<hbm>>
      %dma_wait3A_185 = tpu.memref_squeeze %dma_wait3A_184 : memref<1x1x2x128xi32, #tpu.memory_space<hbm>> -> memref<2x128xi32, #tpu.memory_space<hbm>>
      tpu.wait_dma2 semaphore(%arg8 : memref<!tpu.dma_semaphore, #tpu.memory_space<semaphore_mem>>) src(%dma_wait3A_185 : memref<2x128xi32, #tpu.memory_space<hbm>>) dst(%dma_wait3A_181 : memref<2x128xi32, #tpu.memory_space<vmem>>)
      %get3A_186 = arith.constant 1 : i32
      %get3A_187 = arith.constant 1 : i32
      %get3A_188 = arith.index_cast %get3A_186 : i32 to index
      %get3A_189 = arith.index_cast %get3A_187 : i32 to index
      %get3A_190 = arith.constant 0 : index
      %get3A_191 = tpu.vector_load %arg5[%get3A_188, %get3A_189, %get3A_190] {strides = array<i32>} : memref<2x2x128xi32, #tpu.memory_space<vmem>>, vector<16xi32>,
      tpu.vector_store_idx %arg6[%get3A_191], %broadcast_in_dim3A_1 {add = true} : memref<10240xf32, #tpu.memory_space<vmem>>[vector<16xi32>], vector<16xf32>,
      %get3A_192 = arith.constant 1 : i32
      %get3A_193 = arith.constant 1 : i32
      %get3A_194 = arith.index_cast %get3A_192 : i32 to index
      %get3A_195 = arith.index_cast %get3A_193 : i32 to index
      %get3A_196 = arith.constant 16 : index
      %get3A_197 = tpu.vector_load %arg5[%get3A_194, %get3A_195, %get3A_196] {strides = array<i32>} : memref<2x2x128xi32, #tpu.memory_space<vmem>>, vector<16xi32>,
      tpu.vector_store_idx %arg6[%get3A_197], %broadcast_in_dim3A_1 {add = true} : memref<10240xf32, #tpu.memory_space<vmem>>[vector<16xi32>], vector<16xf32>,
      %get3A_198 = arith.constant 1 : i32
      %get3A_199 = arith.constant 1 : i32
      %get3A_200 = arith.index_cast %get3A_198 : i32 to index
      %get3A_201 = arith.index_cast %get3A_199 : i32 to index
      %get3A_202 = arith.constant 32 : index
      %get3A_203 = tpu.vector_load %arg5[%get3A_200, %get3A_201, %get3A_202] {strides = array<i32>} : memref<2x2x128xi32, #tpu.memory_space<vmem>>, vector<16xi32>,
      tpu.vector_store_idx %arg6[%get3A_203], %broadcast_in_dim3A_1 {add = true} : memref<10240xf32, #tpu.memory_space<vmem>>[vector<16xi32>], vector<16xf32>,
      %get3A_204 = arith.constant 1 : i32
      %get3A_205 = arith.constant 1 : i32
      %get3A_206 = arith.index_cast %get3A_204 : i32 to index
      %get3A_207 = arith.index_cast %get3A_205 : i32 to index
      %get3A_208 = arith.constant 48 : index
      %get3A_209 = tpu.vector_load %arg5[%get3A_206, %get3A_207, %get3A_208] {strides = array<i32>} : memref<2x2x128xi32, #tpu.memory_space<vmem>>, vector<16xi32>,
      tpu.vector_store_idx %arg6[%get3A_209], %broadcast_in_dim3A_1 {add = true} : memref<10240xf32, #tpu.memory_space<vmem>>[vector<16xi32>], vector<16xf32>,
      %get3A_210 = arith.constant 1 : i32
      %get3A_211 = arith.constant 1 : i32
      %get3A_212 = arith.index_cast %get3A_210 : i32 to index
      %get3A_213 = arith.index_cast %get3A_211 : i32 to index
      %get3A_214 = arith.constant 64 : index
      %get3A_215 = tpu.vector_load %arg5[%get3A_212, %get3A_213, %get3A_214] {strides = array<i32>} : memref<2x2x128xi32, #tpu.memory_space<vmem>>, vector<16xi32>,
      tpu.vector_store_idx %arg6[%get3A_215], %broadcast_in_dim3A_1 {add = true} : memref<10240xf32, #tpu.memory_space<vmem>>[vector<16xi32>], vector<16xf32>,
      %get3A_216 = arith.constant 1 : i32
      %get3A_217 = arith.constant 1 : i32
      %get3A_218 = arith.index_cast %get3A_216 : i32 to index
      %get3A_219 = arith.index_cast %get3A_217 : i32 to index
      %get3A_220 = arith.constant 80 : index
      %get3A_221 = tpu.vector_load %arg5[%get3A_218, %get3A_219, %get3A_220] {strides = array<i32>} : memref<2x2x128xi32, #tpu.memory_space<vmem>>, vector<16xi32>,
      tpu.vector_store_idx %arg6[%get3A_221], %broadcast_in_dim3A_1 {add = true} : memref<10240xf32, #tpu.memory_space<vmem>>[vector<16xi32>], vector<16xf32>,
      %get3A_222 = arith.constant 1 : i32
      %get3A_223 = arith.constant 1 : i32
      %get3A_224 = arith.index_cast %get3A_222 : i32 to index
      %get3A_225 = arith.index_cast %get3A_223 : i32 to index
      %get3A_226 = arith.constant 96 : index
      %get3A_227 = tpu.vector_load %arg5[%get3A_224, %get3A_225, %get3A_226] {strides = array<i32>} : memref<2x2x128xi32, #tpu.memory_space<vmem>>, vector<16xi32>,
      tpu.vector_store_idx %arg6[%get3A_227], %broadcast_in_dim3A_1 {add = true} : memref<10240xf32, #tpu.memory_space<vmem>>[vector<16xi32>], vector<16xf32>,
      %get3A_228 = arith.constant 1 : i32
      %get3A_229 = arith.constant 1 : i32
      %get3A_230 = arith.index_cast %get3A_228 : i32 to index
      %get3A_231 = arith.index_cast %get3A_229 : i32 to index
      %get3A_232 = arith.constant 112 : index
      %get3A_233 = tpu.vector_load %arg5[%get3A_230, %get3A_231, %get3A_232] {strides = array<i32>} : memref<2x2x128xi32, #tpu.memory_space<vmem>>, vector<16xi32>,
      tpu.vector_store_idx %arg6[%get3A_233], %broadcast_in_dim3A_1 {add = true} : memref<10240xf32, #tpu.memory_space<vmem>>[vector<16xi32>], vector<16xf32>,
      %add3A_234 = arith.constant 2 : i32
      %add3A_235 = arith.addi %add3A_167, %add3A_234 : i32
      %dma_start3A_236 = arith.constant 1 : i32
      %dma_start3A_237 = arith.constant 0 : i32
      %dma_start3A_238 = arith.constant 0 : i32
      %dma_start3A_239 = tpu.memref_slice %arg5[%dma_start3A_236, %dma_start3A_237, %dma_start3A_238] : memref<2x2x128xi32, #tpu.memory_space<vmem>> -> memref<1x2x128xi32, #tpu.memory_space<vmem>>
      %dma_start3A_240 = tpu.memref_squeeze %dma_start3A_239 : memref<1x2x128xi32, #tpu.memory_space<vmem>> -> memref<2x128xi32, #tpu.memory_space<vmem>>
      %dma_start3A_241 = arith.constant 0 : i32
      %dma_start3A_242 = arith.constant 0 : i32
      %dma_start3A_243 = tpu.memref_slice %arg2[%add3A, %add3A_235, %dma_start3A_241, %dma_start3A_242] : memref<32x82x2x128xi32, #tpu.memory_space<hbm>> -> memref<1x1x2x128xi32, #tpu.memory_space<hbm>>
      %dma_start3A_244 = tpu.memref_squeeze %dma_start3A_243 : memref<1x1x2x128xi32, #tpu.memory_space<hbm>> -> memref<2x128xi32, #tpu.memory_space<hbm>>
      %dma_start3A_245 = arith.constant 0 : i32
      %dma_start3A_246 = arith.constant 0 : i32
      %dma_start3A_247 = tpu.memref_slice %arg5[%dma_start3A_236, %dma_start3A_245, %dma_start3A_246] : memref<2x2x128xi32, #tpu.memory_space<vmem>> -> memref<1x2x128xi32, #tpu.memory_space<vmem>>
      %dma_start3A_248 = tpu.memref_squeeze %dma_start3A_247 : memref<1x2x128xi32, #tpu.memory_space<vmem>> -> memref<2x128xi32, #tpu.memory_space<vmem>>
      %dma_start3A_249 = arith.constant 0 : i32
      %dma_start3A_250 = arith.constant 0 : i32
      %dma_start3A_251 = tpu.memref_slice %arg2[%add3A, %add3A_235, %dma_start3A_249, %dma_start3A_250] : memref<32x82x2x128xi32, #tpu.memory_space<hbm>> -> memref<1x1x2x128xi32, #tpu.memory_space<hbm>>
      %dma_start3A_252 = tpu.memref_squeeze %dma_start3A_251 : memref<1x1x2x128xi32, #tpu.memory_space<hbm>> -> memref<2x128xi32, #tpu.memory_space<hbm>>
      tpu.enqueue_dma source(%dma_start3A_252 : memref<2x128xi32, #tpu.memory_space<hbm>>) target(%dma_start3A_248 : memref<2x128xi32, #tpu.memory_space<vmem>>) target_semaphore(%arg8 : memref<!tpu.dma_semaphore, #tpu.memory_space<semaphore_mem>>)
    }
    %scan3A_41 = arith.constant 40 : i32
    %dma_wait3A = arith.constant 0 : i32
    %dma_wait3A_42 = arith.constant 0 : i32
    %dma_wait3A_43 = arith.constant 0 : i32
    %dma_wait3A_44 = arith.constant 0 : i32
    %dma_wait3A_45 = tpu.memref_slice %arg5[%dma_wait3A_42, %dma_wait3A_43, %dma_wait3A_44] : memref<2x2x128xi32, #tpu.memory_space<vmem>> -> memref<1x2x128xi32, #tpu.memory_space<vmem>>
    %dma_wait3A_46 = tpu.memref_squeeze %dma_wait3A_45 : memref<1x2x128xi32, #tpu.memory_space<vmem>> -> memref<2x128xi32, #tpu.memory_space<vmem>>
    %dma_wait3A_47 = arith.constant 0 : i32
    %dma_wait3A_48 = arith.constant 0 : i32
    %dma_wait3A_49 = tpu.memref_slice %arg2[%add3A, %dma_wait3A, %dma_wait3A_47, %dma_wait3A_48] : memref<32x82x2x128xi32, #tpu.memory_space<hbm>> -> memref<1x1x2x128xi32, #tpu.memory_space<hbm>>
    %dma_wait3A_50 = tpu.memref_squeeze %dma_wait3A_49 : memref<1x1x2x128xi32, #tpu.memory_space<hbm>> -> memref<2x128xi32, #tpu.memory_space<hbm>>
    %dma_wait3A_51 = arith.constant 0 : i32
    %dma_wait3A_52 = arith.constant 0 : i32
    %dma_wait3A_53 = tpu.memref_slice %arg5[%dma_wait3A_42, %dma_wait3A_51, %dma_wait3A_52] : memref<2x2x128xi32, #tpu.memory_space<vmem>> -> memref<1x2x128xi32, #tpu.memory_space<vmem>>
    %dma_wait3A_54 = tpu.memref_squeeze %dma_wait3A_53 : memref<1x2x128xi32, #tpu.memory_space<vmem>> -> memref<2x128xi32, #tpu.memory_space<vmem>>
    %dma_wait3A_55 = arith.constant 0 : i32
    %dma_wait3A_56 = arith.constant 0 : i32
    %dma_wait3A_57 = tpu.memref_slice %arg2[%add3A, %dma_wait3A, %dma_wait3A_55, %dma_wait3A_56] : memref<32x82x2x128xi32, #tpu.memory_space<hbm>> -> memref<1x1x2x128xi32, #tpu.memory_space<hbm>>
    %dma_wait3A_58 = tpu.memref_squeeze %dma_wait3A_57 : memref<1x1x2x128xi32, #tpu.memory_space<hbm>> -> memref<2x128xi32, #tpu.memory_space<hbm>>
    tpu.wait_dma2 semaphore(%arg7 : memref<!tpu.dma_semaphore, #tpu.memory_space<semaphore_mem>>) src(%dma_wait3A_58 : memref<2x128xi32, #tpu.memory_space<hbm>>) dst(%dma_wait3A_54 : memref<2x128xi32, #tpu.memory_space<vmem>>)
    %dma_wait3A_59 = arith.constant 0 : i32
    %dma_wait3A_60 = arith.constant 1 : i32
    %dma_wait3A_61 = arith.constant 0 : i32
    %dma_wait3A_62 = arith.constant 0 : i32
    %dma_wait3A_63 = tpu.memref_slice %arg5[%dma_wait3A_60, %dma_wait3A_61, %dma_wait3A_62] : memref<2x2x128xi32, #tpu.memory_space<vmem>> -> memref<1x2x128xi32, #tpu.memory_space<vmem>>
    %dma_wait3A_64 = tpu.memref_squeeze %dma_wait3A_63 : memref<1x2x128xi32, #tpu.memory_space<vmem>> -> memref<2x128xi32, #tpu.memory_space<vmem>>
    %dma_wait3A_65 = arith.constant 0 : i32
    %dma_wait3A_66 = arith.constant 0 : i32
    %dma_wait3A_67 = tpu.memref_slice %arg2[%add3A, %dma_wait3A_59, %dma_wait3A_65, %dma_wait3A_66] : memref<32x82x2x128xi32, #tpu.memory_space<hbm>> -> memref<1x1x2x128xi32, #tpu.memory_space<hbm>>
    %dma_wait3A_68 = tpu.memref_squeeze %dma_wait3A_67 : memref<1x1x2x128xi32, #tpu.memory_space<hbm>> -> memref<2x128xi32, #tpu.memory_space<hbm>>
    %dma_wait3A_69 = arith.constant 0 : i32
    %dma_wait3A_70 = arith.constant 0 : i32
    %dma_wait3A_71 = tpu.memref_slice %arg5[%dma_wait3A_60, %dma_wait3A_69, %dma_wait3A_70] : memref<2x2x128xi32, #tpu.memory_space<vmem>> -> memref<1x2x128xi32, #tpu.memory_space<vmem>>
    %dma_wait3A_72 = tpu.memref_squeeze %dma_wait3A_71 : memref<1x2x128xi32, #tpu.memory_space<vmem>> -> memref<2x128xi32, #tpu.memory_space<vmem>>
    %dma_wait3A_73 = arith.constant 0 : i32
    %dma_wait3A_74 = arith.constant 0 : i32
    %dma_wait3A_75 = tpu.memref_slice %arg2[%add3A, %dma_wait3A_59, %dma_wait3A_73, %dma_wait3A_74] : memref<32x82x2x128xi32, #tpu.memory_space<hbm>> -> memref<1x1x2x128xi32, #tpu.memory_space<hbm>>
    %dma_wait3A_76 = tpu.memref_squeeze %dma_wait3A_75 : memref<1x1x2x128xi32, #tpu.memory_space<hbm>> -> memref<2x128xi32, #tpu.memory_space<hbm>>
    tpu.wait_dma2 semaphore(%arg8 : memref<!tpu.dma_semaphore, #tpu.memory_space<semaphore_mem>>) src(%dma_wait3A_76 : memref<2x128xi32, #tpu.memory_space<hbm>>) dst(%dma_wait3A_72 : memref<2x128xi32, #tpu.memory_space<vmem>>)
    "tpu.region"() ({
      %run_scoped3A = tpu.sem_alloc : memref<!tpu.dma_semaphore, #tpu.memory_space<semaphore_mem>>
      %dma_start3A_77 = arith.constant 0 : i32
      %dma_start3A_78 = tpu.memref_slice %arg4[%add3A, %dma_start3A_77] : memref<32x10240xf32, #tpu.memory_space<hbm>> -> memref<1x10240xf32, #tpu.memory_space<hbm>>
      %dma_start3A_79 = tpu.memref_squeeze %dma_start3A_78 : memref<1x10240xf32, #tpu.memory_space<hbm>> -> memref<10240xf32, #tpu.memory_space<hbm>>
      %dma_start3A_80 = arith.constant 0 : i32
      %dma_start3A_81 = tpu.memref_slice %arg4[%add3A, %dma_start3A_80] : memref<32x10240xf32, #tpu.memory_space<hbm>> -> memref<1x10240xf32, #tpu.memory_space<hbm>>
      %dma_start3A_82 = tpu.memref_squeeze %dma_start3A_81 : memref<1x10240xf32, #tpu.memory_space<hbm>> -> memref<10240xf32, #tpu.memory_space<hbm>>
      tpu.enqueue_dma source(%arg6 : memref<10240xf32, #tpu.memory_space<vmem>>) target(%dma_start3A_82 : memref<10240xf32, #tpu.memory_space<hbm>>) target_semaphore(%run_scoped3A : memref<!tpu.dma_semaphore, #tpu.memory_space<semaphore_mem>>)
      %dma_wait3A_83 = arith.constant 0 : i32
      %dma_wait3A_84 = tpu.memref_slice %arg4[%add3A, %dma_wait3A_83] : memref<32x10240xf32, #tpu.memory_space<hbm>> -> memref<1x10240xf32, #tpu.memory_space<hbm>>
      %dma_wait3A_85 = tpu.memref_squeeze %dma_wait3A_84 : memref<1x10240xf32, #tpu.memory_space<hbm>> -> memref<10240xf32, #tpu.memory_space<hbm>>
      %dma_wait3A_86 = arith.constant 0 : i32
      %dma_wait3A_87 = tpu.memref_slice %arg4[%add3A, %dma_wait3A_86] : memref<32x10240xf32, #tpu.memory_space<hbm>> -> memref<1x10240xf32, #tpu.memory_space<hbm>>
      %dma_wait3A_88 = tpu.memref_squeeze %dma_wait3A_87 : memref<1x10240xf32, #tpu.memory_space<hbm>> -> memref<10240xf32, #tpu.memory_space<hbm>>
      tpu.wait_dma2 semaphore(%run_scoped3A : memref<!tpu.dma_semaphore, #tpu.memory_space<semaphore_mem>>) src(%arg6 : memref<10240xf32, #tpu.memory_space<vmem>>) dst(%dma_wait3A_88 : memref<10240xf32, #tpu.memory_space<hbm>>)
      tpu.yield
    }) : () -> ()
    return
  }
}

#map = affine_map<(d0, d1) -> (0, 0)>
#map1 = affine_map<(d0, d1) -> (0, 0, 0, 0)>
#map2 = affine_map<(d0, d1) -> (0, 0, 0)>
module attributes {stable_mosaic.version = 14 : i64} {
  func.func @_agg_body(%arg0: i32, %arg1: i32, %arg2: memref<10240x128xf32, #tpu.memory_space<hbm>>, %arg3: memref<32x82x2x128xi32, #tpu.memory_space<hbm>>, %arg4: memref<10240x128xf32, #tpu.memory_space<hbm>>, %arg5: memref<2x10240x128xf32, #tpu.memory_space<hbm>>, %arg6: memref<2x2x128xi32, #tpu.memory_space<vmem>>, %arg7: memref<128x128xf32, #tpu.memory_space<vmem>>, %arg8: memref<128x128xf32, #tpu.memory_space<vmem>>, %arg9: memref<!tpu.dma_semaphore, #tpu.memory_space<semaphore_mem>>, %arg10: memref<!tpu.dma_semaphore, #tpu.memory_space<semaphore_mem>>, %arg11: memref<!tpu.dma_semaphore, #tpu.memory_space<semaphore_mem>>, %arg12: memref<!tpu.dma_semaphore, #tpu.memory_space<semaphore_mem>>, %arg13: memref<10240x128xf32, #tpu.memory_space<vmem_shared>>) attributes {dimension_semantics = [#tpu.dimension_semantics<core_parallel>, #tpu.dimension_semantics<subcore_parallel>], iteration_bounds = array<i64: 2, 16>, scalar_prefetch = 0 : i64, scratch_operands = 8 : i64, tpu.core_type = #tpu.core_type<sc_vector_subcore>, window_params = [{transform_indices = #map}, {transform_indices = #map1}, {transform_indices = #map}, {transform_indices = #map2}]} {
    %mul3A = arith.constant 2 : i32
    %mul3A_0 = arith.muli %arg1, %mul3A : i32
    %add3A = arith.addi %mul3A_0, %arg0 : i32
    %mul3A_1 = arith.constant 640 : i32
    %mul3A_2 = arith.muli %arg1, %mul3A_1 : i32
    "tpu.region"() ({
      %run_scoped3A = tpu.sem_alloc : memref<!tpu.dma_semaphore, #tpu.memory_space<semaphore_mem>>
      %dma_start3A_107 = arith.constant 0 : i32
      %dma_start3A_108 = tpu.memref_slice %arg13[%mul3A_2, %dma_start3A_107] : memref<10240x128xf32, #tpu.memory_space<vmem_shared>> -> memref<640x128xf32, #tpu.memory_space<vmem_shared>>
      %dma_start3A_109 = arith.constant 0 : i32
      %dma_start3A_110 = tpu.memref_slice %arg4[%mul3A_2, %dma_start3A_109] : memref<10240x128xf32, #tpu.memory_space<hbm>> -> memref<640x128xf32, #tpu.memory_space<hbm>>
      tpu.enqueue_dma source(%dma_start3A_110 : memref<640x128xf32, #tpu.memory_space<hbm>>) target(%dma_start3A_108 : memref<640x128xf32, #tpu.memory_space<vmem_shared>>) target_semaphore(%run_scoped3A : memref<!tpu.dma_semaphore, #tpu.memory_space<semaphore_mem>>)
      %dma_wait3A_111 = arith.constant 0 : i32
      %dma_wait3A_112 = tpu.memref_slice %arg13[%mul3A_2, %dma_wait3A_111] : memref<10240x128xf32, #tpu.memory_space<vmem_shared>> -> memref<640x128xf32, #tpu.memory_space<vmem_shared>>
      %dma_wait3A_113 = arith.constant 0 : i32
      %dma_wait3A_114 = tpu.memref_slice %arg4[%mul3A_2, %dma_wait3A_113] : memref<10240x128xf32, #tpu.memory_space<hbm>> -> memref<640x128xf32, #tpu.memory_space<hbm>>
      tpu.wait_dma2 semaphore(%run_scoped3A : memref<!tpu.dma_semaphore, #tpu.memory_space<semaphore_mem>>) src(%dma_wait3A_114 : memref<640x128xf32, #tpu.memory_space<hbm>>) dst(%dma_wait3A_112 : memref<640x128xf32, #tpu.memory_space<vmem_shared>>)
      tpu.yield
    }) : () -> ()
    %barrier3A = arith.constant 0 : index
    tpu.barrier barrier_id(%barrier3A)
    %dma_start3A = arith.constant 0 : i32
    %dma_start3A_3 = arith.constant 0 : i32
    %dma_start3A_4 = arith.constant 0 : i32
    %dma_start3A_5 = arith.constant 0 : i32
    %dma_start3A_6 = tpu.memref_slice %arg6[%dma_start3A_3, %dma_start3A_4, %dma_start3A_5] : memref<2x2x128xi32, #tpu.memory_space<vmem>> -> memref<1x2x128xi32, #tpu.memory_space<vmem>>
    %dma_start3A_7 = tpu.memref_squeeze %dma_start3A_6 : memref<1x2x128xi32, #tpu.memory_space<vmem>> -> memref<2x128xi32, #tpu.memory_space<vmem>>
    %dma_start3A_8 = arith.constant 0 : i32
    %dma_start3A_9 = arith.constant 0 : i32
    %dma_start3A_10 = tpu.memref_slice %arg3[%add3A, %dma_start3A, %dma_start3A_8, %dma_start3A_9] : memref<32x82x2x128xi32, #tpu.memory_space<hbm>> -> memref<1x1x2x128xi32, #tpu.memory_space<hbm>>
    %dma_start3A_11 = tpu.memref_squeeze %dma_start3A_10 : memref<1x1x2x128xi32, #tpu.memory_space<hbm>> -> memref<2x128xi32, #tpu.memory_space<hbm>>
    %dma_start3A_12 = arith.constant 0 : i32
    %dma_start3A_13 = arith.constant 0 : i32
    %dma_start3A_14 = tpu.memref_slice %arg6[%dma_start3A_3, %dma_start3A_12, %dma_start3A_13] : memref<2x2x128xi32, #tpu.memory_space<vmem>> -> memref<1x2x128xi32, #tpu.memory_space<vmem>>
    %dma_start3A_15 = tpu.memref_squeeze %dma_start3A_14 : memref<1x2x128xi32, #tpu.memory_space<vmem>> -> memref<2x128xi32, #tpu.memory_space<vmem>>
    %dma_start3A_16 = arith.constant 0 : i32
    %dma_start3A_17 = arith.constant 0 : i32
    %dma_start3A_18 = tpu.memref_slice %arg3[%add3A, %dma_start3A, %dma_start3A_16, %dma_start3A_17] : memref<32x82x2x128xi32, #tpu.memory_space<hbm>> -> memref<1x1x2x128xi32, #tpu.memory_space<hbm>>
    %dma_start3A_19 = tpu.memref_squeeze %dma_start3A_18 : memref<1x1x2x128xi32, #tpu.memory_space<hbm>> -> memref<2x128xi32, #tpu.memory_space<hbm>>
    tpu.enqueue_dma source(%dma_start3A_19 : memref<2x128xi32, #tpu.memory_space<hbm>>) target(%dma_start3A_15 : memref<2x128xi32, #tpu.memory_space<vmem>>) target_semaphore(%arg9 : memref<!tpu.dma_semaphore, #tpu.memory_space<semaphore_mem>>)
    %dma_start3A_20 = arith.constant 1 : i32
    %dma_start3A_21 = arith.constant 1 : i32
    %dma_start3A_22 = arith.constant 0 : i32
    %dma_start3A_23 = arith.constant 0 : i32
    %dma_start3A_24 = tpu.memref_slice %arg6[%dma_start3A_21, %dma_start3A_22, %dma_start3A_23] : memref<2x2x128xi32, #tpu.memory_space<vmem>> -> memref<1x2x128xi32, #tpu.memory_space<vmem>>
    %dma_start3A_25 = tpu.memref_squeeze %dma_start3A_24 : memref<1x2x128xi32, #tpu.memory_space<vmem>> -> memref<2x128xi32, #tpu.memory_space<vmem>>
    %dma_start3A_26 = arith.constant 0 : i32
    %dma_start3A_27 = arith.constant 0 : i32
    %dma_start3A_28 = tpu.memref_slice %arg3[%add3A, %dma_start3A_20, %dma_start3A_26, %dma_start3A_27] : memref<32x82x2x128xi32, #tpu.memory_space<hbm>> -> memref<1x1x2x128xi32, #tpu.memory_space<hbm>>
    %dma_start3A_29 = tpu.memref_squeeze %dma_start3A_28 : memref<1x1x2x128xi32, #tpu.memory_space<hbm>> -> memref<2x128xi32, #tpu.memory_space<hbm>>
    %dma_start3A_30 = arith.constant 0 : i32
    %dma_start3A_31 = arith.constant 0 : i32
    %dma_start3A_32 = tpu.memref_slice %arg6[%dma_start3A_21, %dma_start3A_30, %dma_start3A_31] : memref<2x2x128xi32, #tpu.memory_space<vmem>> -> memref<1x2x128xi32, #tpu.memory_space<vmem>>
    %dma_start3A_33 = tpu.memref_squeeze %dma_start3A_32 : memref<1x2x128xi32, #tpu.memory_space<vmem>> -> memref<2x128xi32, #tpu.memory_space<vmem>>
    %dma_start3A_34 = arith.constant 0 : i32
    %dma_start3A_35 = arith.constant 0 : i32
    %dma_start3A_36 = tpu.memref_slice %arg3[%add3A, %dma_start3A_20, %dma_start3A_34, %dma_start3A_35] : memref<32x82x2x128xi32, #tpu.memory_space<hbm>> -> memref<1x1x2x128xi32, #tpu.memory_space<hbm>>
    %dma_start3A_37 = tpu.memref_squeeze %dma_start3A_36 : memref<1x1x2x128xi32, #tpu.memory_space<hbm>> -> memref<2x128xi32, #tpu.memory_space<hbm>>
    tpu.enqueue_dma source(%dma_start3A_37 : memref<2x128xi32, #tpu.memory_space<hbm>>) target(%dma_start3A_33 : memref<2x128xi32, #tpu.memory_space<vmem>>) target_semaphore(%arg10 : memref<!tpu.dma_semaphore, #tpu.memory_space<semaphore_mem>>)
    %dma_wait3A = arith.constant 0 : i32
    %dma_wait3A_38 = arith.constant 0 : i32
    %dma_wait3A_39 = arith.constant 0 : i32
    %dma_wait3A_40 = arith.constant 0 : i32
    %dma_wait3A_41 = tpu.memref_slice %arg6[%dma_wait3A_38, %dma_wait3A_39, %dma_wait3A_40] : memref<2x2x128xi32, #tpu.memory_space<vmem>> -> memref<1x2x128xi32, #tpu.memory_space<vmem>>
    %dma_wait3A_42 = tpu.memref_squeeze %dma_wait3A_41 : memref<1x2x128xi32, #tpu.memory_space<vmem>> -> memref<2x128xi32, #tpu.memory_space<vmem>>
    %dma_wait3A_43 = arith.constant 0 : i32
    %dma_wait3A_44 = arith.constant 0 : i32
    %dma_wait3A_45 = tpu.memref_slice %arg3[%add3A, %dma_wait3A, %dma_wait3A_43, %dma_wait3A_44] : memref<32x82x2x128xi32, #tpu.memory_space<hbm>> -> memref<1x1x2x128xi32, #tpu.memory_space<hbm>>
    %dma_wait3A_46 = tpu.memref_squeeze %dma_wait3A_45 : memref<1x1x2x128xi32, #tpu.memory_space<hbm>> -> memref<2x128xi32, #tpu.memory_space<hbm>>
    %dma_wait3A_47 = arith.constant 0 : i32
    %dma_wait3A_48 = arith.constant 0 : i32
    %dma_wait3A_49 = tpu.memref_slice %arg6[%dma_wait3A_38, %dma_wait3A_47, %dma_wait3A_48] : memref<2x2x128xi32, #tpu.memory_space<vmem>> -> memref<1x2x128xi32, #tpu.memory_space<vmem>>
    %dma_wait3A_50 = tpu.memref_squeeze %dma_wait3A_49 : memref<1x2x128xi32, #tpu.memory_space<vmem>> -> memref<2x128xi32, #tpu.memory_space<vmem>>
    %dma_wait3A_51 = arith.constant 0 : i32
    %dma_wait3A_52 = arith.constant 0 : i32
    %dma_wait3A_53 = tpu.memref_slice %arg3[%add3A, %dma_wait3A, %dma_wait3A_51, %dma_wait3A_52] : memref<32x82x2x128xi32, #tpu.memory_space<hbm>> -> memref<1x1x2x128xi32, #tpu.memory_space<hbm>>
    %dma_wait3A_54 = tpu.memref_squeeze %dma_wait3A_53 : memref<1x1x2x128xi32, #tpu.memory_space<hbm>> -> memref<2x128xi32, #tpu.memory_space<hbm>>
    tpu.wait_dma2 semaphore(%arg9 : memref<!tpu.dma_semaphore, #tpu.memory_space<semaphore_mem>>) src(%dma_wait3A_54 : memref<2x128xi32, #tpu.memory_space<hbm>>) dst(%dma_wait3A_50 : memref<2x128xi32, #tpu.memory_space<vmem>>)
    %dma_start3A_55 = arith.constant 0 : i32
    %dma_start3A_56 = arith.constant 0 : i32
    %dma_start3A_57 = arith.constant 0 : i32
    %dma_start3A_58 = tpu.memref_slice %arg6[%dma_start3A_55, %dma_start3A_56, %dma_start3A_57] : memref<2x2x128xi32, #tpu.memory_space<vmem>> -> memref<1x1x128xi32, #tpu.memory_space<vmem>>
    %dma_start3A_59 = tpu.memref_squeeze %dma_start3A_58 : memref<1x1x128xi32, #tpu.memory_space<vmem>> -> memref<128xi32, #tpu.memory_space<vmem>>
    %dma_start3A_60 = arith.constant 0 : i32
    %dma_start3A_61 = arith.constant 0 : i32
    %dma_start3A_62 = tpu.memref_slice %arg2[%dma_start3A_60, %dma_start3A_61] : memref<10240x128xf32, #tpu.memory_space<hbm>> -> memref<10240x128xf32, #tpu.memory_space<hbm>>
    tpu.enqueue_indirect_dma source(%dma_start3A_62 : memref<10240x128xf32, #tpu.memory_space<hbm>>) target(%arg7 : memref<128x128xf32, #tpu.memory_space<vmem>>) offsets(%dma_start3A_59 : memref<128xi32, #tpu.memory_space<vmem>>) semaphore(%arg11 : memref<!tpu.dma_semaphore, #tpu.memory_space<semaphore_mem>>)
    %dma_wait3A_63 = arith.constant 1 : i32
    %dma_wait3A_64 = arith.constant 1 : i32
    %dma_wait3A_65 = arith.constant 0 : i32
    %dma_wait3A_66 = arith.constant 0 : i32
    %dma_wait3A_67 = tpu.memref_slice %arg6[%dma_wait3A_64, %dma_wait3A_65, %dma_wait3A_66] : memref<2x2x128xi32, #tpu.memory_space<vmem>> -> memref<1x2x128xi32, #tpu.memory_space<vmem>>
    %dma_wait3A_68 = tpu.memref_squeeze %dma_wait3A_67 : memref<1x2x128xi32, #tpu.memory_space<vmem>> -> memref<2x128xi32, #tpu.memory_space<vmem>>
    %dma_wait3A_69 = arith.constant 0 : i32
    %dma_wait3A_70 = arith.constant 0 : i32
    %dma_wait3A_71 = tpu.memref_slice %arg3[%add3A, %dma_wait3A_63, %dma_wait3A_69, %dma_wait3A_70] : memref<32x82x2x128xi32, #tpu.memory_space<hbm>> -> memref<1x1x2x128xi32, #tpu.memory_space<hbm>>
    %dma_wait3A_72 = tpu.memref_squeeze %dma_wait3A_71 : memref<1x1x2x128xi32, #tpu.memory_space<hbm>> -> memref<2x128xi32, #tpu.memory_space<hbm>>
    %dma_wait3A_73 = arith.constant 0 : i32
    %dma_wait3A_74 = arith.constant 0 : i32
    %dma_wait3A_75 = tpu.memref_slice %arg6[%dma_wait3A_64, %dma_wait3A_73, %dma_wait3A_74] : memref<2x2x128xi32, #tpu.memory_space<vmem>> -> memref<1x2x128xi32, #tpu.memory_space<vmem>>
    %dma_wait3A_76 = tpu.memref_squeeze %dma_wait3A_75 : memref<1x2x128xi32, #tpu.memory_space<vmem>> -> memref<2x128xi32, #tpu.memory_space<vmem>>
    %dma_wait3A_77 = arith.constant 0 : i32
    %dma_wait3A_78 = arith.constant 0 : i32
    %dma_wait3A_79 = tpu.memref_slice %arg3[%add3A, %dma_wait3A_63, %dma_wait3A_77, %dma_wait3A_78] : memref<32x82x2x128xi32, #tpu.memory_space<hbm>> -> memref<1x1x2x128xi32, #tpu.memory_space<hbm>>
    %dma_wait3A_80 = tpu.memref_squeeze %dma_wait3A_79 : memref<1x1x2x128xi32, #tpu.memory_space<hbm>> -> memref<2x128xi32, #tpu.memory_space<hbm>>
    tpu.wait_dma2 semaphore(%arg10 : memref<!tpu.dma_semaphore, #tpu.memory_space<semaphore_mem>>) src(%dma_wait3A_80 : memref<2x128xi32, #tpu.memory_space<hbm>>) dst(%dma_wait3A_76 : memref<2x128xi32, #tpu.memory_space<vmem>>)
    %dma_start3A_81 = arith.constant 1 : i32
    %dma_start3A_82 = arith.constant 0 : i32
    %dma_start3A_83 = arith.constant 0 : i32
    %dma_start3A_84 = tpu.memref_slice %arg6[%dma_start3A_81, %dma_start3A_82, %dma_start3A_83] : memref<2x2x128xi32, #tpu.memory_space<vmem>> -> memref<1x1x128xi32, #tpu.memory_space<vmem>>
    %dma_start3A_85 = tpu.memref_squeeze %dma_start3A_84 : memref<1x1x128xi32, #tpu.memory_space<vmem>> -> memref<128xi32, #tpu.memory_space<vmem>>
    %dma_start3A_86 = arith.constant 0 : i32
    %dma_start3A_87 = arith.constant 0 : i32
    %dma_start3A_88 = tpu.memref_slice %arg2[%dma_start3A_86, %dma_start3A_87] : memref<10240x128xf32, #tpu.memory_space<hbm>> -> memref<10240x128xf32, #tpu.memory_space<hbm>>
    tpu.enqueue_indirect_dma source(%dma_start3A_88 : memref<10240x128xf32, #tpu.memory_space<hbm>>) target(%arg8 : memref<128x128xf32, #tpu.memory_space<vmem>>) offsets(%dma_start3A_85 : memref<128xi32, #tpu.memory_space<vmem>>) semaphore(%arg12 : memref<!tpu.dma_semaphore, #tpu.memory_space<semaphore_mem>>)
    %scan3A = arith.constant 0 : i32
    %scan3A_89 = arith.constant 0 : i32
    %scan3A_90 = arith.constant 40 : i32
    %scan3A_91 = arith.addi %scan3A_89, %scan3A_90 : i32
    %scan3A_92 = arith.constant 1 : i32
    scf.for %scan3A_107 = %scan3A_89 to %scan3A_91 step %scan3A_92  : i32 {
      %mul3A_108 = arith.constant 2 : i32
      %mul3A_109 = arith.muli %mul3A_108, %scan3A_107 : i32
      %add3A_110 = arith.constant 0 : i32
      %add3A_111 = arith.addi %mul3A_109, %add3A_110 : i32
      %dma_wait3A_112 = arith.constant 0 : i32
      %dma_wait3A_113 = arith.constant 0 : i32
      %dma_wait3A_114 = tpu.memref_slice %arg2[%dma_wait3A_112, %dma_wait3A_113] : memref<10240x128xf32, #tpu.memory_space<hbm>> -> memref<128x128xf32, #tpu.memory_space<hbm>>
      %dma_wait3A_115 = arith.constant 0 : i32
      %dma_wait3A_116 = arith.constant 0 : i32
      %dma_wait3A_117 = tpu.memref_slice %arg2[%dma_wait3A_115, %dma_wait3A_116] : memref<10240x128xf32, #tpu.memory_space<hbm>> -> memref<128x128xf32, #tpu.memory_space<hbm>>
      tpu.wait_dma2 semaphore(%arg11 : memref<!tpu.dma_semaphore, #tpu.memory_space<semaphore_mem>>) src(%dma_wait3A_117 : memref<128x128xf32, #tpu.memory_space<hbm>>) dst(%arg7 : memref<128x128xf32, #tpu.memory_space<vmem>>)
      %add3A_118 = arith.constant 2 : i32
      %add3A_119 = arith.addi %add3A_111, %add3A_118 : i32
      %dma_start3A_120 = arith.constant 0 : i32
      %dma_start3A_121 = arith.constant 0 : i32
      %dma_start3A_122 = arith.constant 0 : i32
      %dma_start3A_123 = tpu.memref_slice %arg6[%dma_start3A_120, %dma_start3A_121, %dma_start3A_122] : memref<2x2x128xi32, #tpu.memory_space<vmem>> -> memref<1x2x128xi32, #tpu.memory_space<vmem>>
      %dma_start3A_124 = tpu.memref_squeeze %dma_start3A_123 : memref<1x2x128xi32, #tpu.memory_space<vmem>> -> memref<2x128xi32, #tpu.memory_space<vmem>>
      %dma_start3A_125 = arith.constant 0 : i32
      %dma_start3A_126 = arith.constant 0 : i32
      %dma_start3A_127 = tpu.memref_slice %arg3[%add3A, %add3A_119, %dma_start3A_125, %dma_start3A_126] : memref<32x82x2x128xi32, #tpu.memory_space<hbm>> -> memref<1x1x2x128xi32, #tpu.memory_space<hbm>>
      %dma_start3A_128 = tpu.memref_squeeze %dma_start3A_127 : memref<1x1x2x128xi32, #tpu.memory_space<hbm>> -> memref<2x128xi32, #tpu.memory_space<hbm>>
      %dma_start3A_129 = arith.constant 0 : i32
      %dma_start3A_130 = arith.constant 0 : i32
      %dma_start3A_131 = tpu.memref_slice %arg6[%dma_start3A_120, %dma_start3A_129, %dma_start3A_130] : memref<2x2x128xi32, #tpu.memory_space<vmem>> -> memref<1x2x128xi32, #tpu.memory_space<vmem>>
      %dma_start3A_132 = tpu.memref_squeeze %dma_start3A_131 : memref<1x2x128xi32, #tpu.memory_space<vmem>> -> memref<2x128xi32, #tpu.memory_space<vmem>>
      %dma_start3A_133 = arith.constant 0 : i32
      %dma_start3A_134 = arith.constant 0 : i32
      %dma_start3A_135 = tpu.memref_slice %arg3[%add3A, %add3A_119, %dma_start3A_133, %dma_start3A_134] : memref<32x82x2x128xi32, #tpu.memory_space<hbm>> -> memref<1x1x2x128xi32, #tpu.memory_space<hbm>>
      %dma_start3A_136 = tpu.memref_squeeze %dma_start3A_135 : memref<1x1x2x128xi32, #tpu.memory_space<hbm>> -> memref<2x128xi32, #tpu.memory_space<hbm>>
      tpu.enqueue_dma source(%dma_start3A_136 : memref<2x128xi32, #tpu.memory_space<hbm>>) target(%dma_start3A_132 : memref<2x128xi32, #tpu.memory_space<vmem>>) target_semaphore(%arg9 : memref<!tpu.dma_semaphore, #tpu.memory_space<semaphore_mem>>)
      %run_scoped3A = arith.constant 0 : i32
      %run_scoped3A_137 = arith.constant 1 : i32
      "tpu.region"() ({
        %run_scoped3A_219 = tpu.sem_alloc : memref<!tpu.dma_semaphore, #tpu.memory_space<semaphore_mem>>
        %dma_start3A_220 = arith.constant 0 : i32
        %dma_start3A_221 = tpu.memref_slice %arg6[%run_scoped3A, %run_scoped3A_137, %dma_start3A_220] : memref<2x2x128xi32, #tpu.memory_space<vmem>> -> memref<1x1x128xi32, #tpu.memory_space<vmem>>
        %dma_start3A_222 = tpu.memref_squeeze %dma_start3A_221 : memref<1x1x128xi32, #tpu.memory_space<vmem>> -> memref<128xi32, #tpu.memory_space<vmem>>
        %dma_start3A_223 = arith.constant 0 : i32
        %dma_start3A_224 = arith.constant 0 : i32
        %dma_start3A_225 = tpu.memref_slice %arg13[%dma_start3A_223, %dma_start3A_224] : memref<10240x128xf32, #tpu.memory_space<vmem_shared>> -> memref<10240x128xf32, #tpu.memory_space<vmem_shared>>
        tpu.enqueue_indirect_dma source(%arg7 : memref<128x128xf32, #tpu.memory_space<vmem>>) target(%dma_start3A_225 : memref<10240x128xf32, #tpu.memory_space<vmem_shared>>) offsets(%dma_start3A_222 : memref<128xi32, #tpu.memory_space<vmem>>) semaphore(%run_scoped3A_219 : memref<!tpu.dma_semaphore, #tpu.memory_space<semaphore_mem>>) {add = true}
        %dma_wait3A_226 = arith.constant 0 : i32
        %dma_wait3A_227 = tpu.memref_slice %arg6[%run_scoped3A, %run_scoped3A_137, %dma_wait3A_226] : memref<2x2x128xi32, #tpu.memory_space<vmem>> -> memref<1x1x128xi32, #tpu.memory_space<vmem>>
        %dma_wait3A_228 = tpu.memref_squeeze %dma_wait3A_227 : memref<1x1x128xi32, #tpu.memory_space<vmem>> -> memref<128xi32, #tpu.memory_space<vmem>>
        %dma_wait3A_229 = arith.constant 0 : i32
        %dma_wait3A_230 = arith.constant 0 : i32
        %dma_wait3A_231 = tpu.memref_slice %arg13[%dma_wait3A_229, %dma_wait3A_230] : memref<10240x128xf32, #tpu.memory_space<vmem_shared>> -> memref<10240x128xf32, #tpu.memory_space<vmem_shared>>
        tpu.wait_indirect_dma semaphore(%run_scoped3A_219 : memref<!tpu.dma_semaphore, #tpu.memory_space<semaphore_mem>>) src(%arg7 : memref<128x128xf32, #tpu.memory_space<vmem>>) dst(%dma_wait3A_231 : memref<10240x128xf32, #tpu.memory_space<vmem_shared>>)
        tpu.yield
      }) : () -> ()
      %dma_wait3A_138 = arith.constant 0 : i32
      %dma_wait3A_139 = arith.constant 0 : i32
      %dma_wait3A_140 = arith.constant 0 : i32
      %dma_wait3A_141 = arith.constant 0 : i32
      %dma_wait3A_142 = tpu.memref_slice %arg6[%dma_wait3A_139, %dma_wait3A_140, %dma_wait3A_141] : memref<2x2x128xi32, #tpu.memory_space<vmem>> -> memref<1x2x128xi32, #tpu.memory_space<vmem>>
      %dma_wait3A_143 = tpu.memref_squeeze %dma_wait3A_142 : memref<1x2x128xi32, #tpu.memory_space<vmem>> -> memref<2x128xi32, #tpu.memory_space<vmem>>
      %dma_wait3A_144 = arith.constant 0 : i32
      %dma_wait3A_145 = arith.constant 0 : i32
      %dma_wait3A_146 = tpu.memref_slice %arg3[%add3A, %dma_wait3A_138, %dma_wait3A_144, %dma_wait3A_145] : memref<32x82x2x128xi32, #tpu.memory_space<hbm>> -> memref<1x1x2x128xi32, #tpu.memory_space<hbm>>
      %dma_wait3A_147 = tpu.memref_squeeze %dma_wait3A_146 : memref<1x1x2x128xi32, #tpu.memory_space<hbm>> -> memref<2x128xi32, #tpu.memory_space<hbm>>
      %dma_wait3A_148 = arith.constant 0 : i32
      %dma_wait3A_149 = arith.constant 0 : i32
      %dma_wait3A_150 = tpu.memref_slice %arg6[%dma_wait3A_139, %dma_wait3A_148, %dma_wait3A_149] : memref<2x2x128xi32, #tpu.memory_space<vmem>> -> memref<1x2x128xi32, #tpu.memory_space<vmem>>
      %dma_wait3A_151 = tpu.memref_squeeze %dma_wait3A_150 : memref<1x2x128xi32, #tpu.memory_space<vmem>> -> memref<2x128xi32, #tpu.memory_space<vmem>>
      %dma_wait3A_152 = arith.constant 0 : i32
      %dma_wait3A_153 = arith.constant 0 : i32
      %dma_wait3A_154 = tpu.memref_slice %arg3[%add3A, %dma_wait3A_138, %dma_wait3A_152, %dma_wait3A_153] : memref<32x82x2x128xi32, #tpu.memory_space<hbm>> -> memref<1x1x2x128xi32, #tpu.memory_space<hbm>>
      %dma_wait3A_155 = tpu.memref_squeeze %dma_wait3A_154 : memref<1x1x2x128xi32, #tpu.memory_space<hbm>> -> memref<2x128xi32, #tpu.memory_space<hbm>>
      tpu.wait_dma2 semaphore(%arg9 : memref<!tpu.dma_semaphore, #tpu.memory_space<semaphore_mem>>) src(%dma_wait3A_155 : memref<2x128xi32, #tpu.memory_space<hbm>>) dst(%dma_wait3A_151 : memref<2x128xi32, #tpu.memory_space<vmem>>)
      %dma_start3A_156 = arith.constant 0 : i32
      %dma_start3A_157 = arith.constant 0 : i32
      %dma_start3A_158 = arith.constant 0 : i32
      %dma_start3A_159 = tpu.memref_slice %arg6[%dma_start3A_156, %dma_start3A_157, %dma_start3A_158] : memref<2x2x128xi32, #tpu.memory_space<vmem>> -> memref<1x1x128xi32, #tpu.memory_space<vmem>>
      %dma_start3A_160 = tpu.memref_squeeze %dma_start3A_159 : memref<1x1x128xi32, #tpu.memory_space<vmem>> -> memref<128xi32, #tpu.memory_space<vmem>>
      %dma_start3A_161 = arith.constant 0 : i32
      %dma_start3A_162 = arith.constant 0 : i32
      %dma_start3A_163 = tpu.memref_slice %arg2[%dma_start3A_161, %dma_start3A_162] : memref<10240x128xf32, #tpu.memory_space<hbm>> -> memref<10240x128xf32, #tpu.memory_space<hbm>>
      tpu.enqueue_indirect_dma source(%dma_start3A_163 : memref<10240x128xf32, #tpu.memory_space<hbm>>) target(%arg7 : memref<128x128xf32, #tpu.memory_space<vmem>>) offsets(%dma_start3A_160 : memref<128xi32, #tpu.memory_space<vmem>>) semaphore(%arg11 : memref<!tpu.dma_semaphore, #tpu.memory_space<semaphore_mem>>)
      %add3A_164 = arith.constant 1 : i32
      %add3A_165 = arith.addi %mul3A_109, %add3A_164 : i32
      %dma_wait3A_166 = arith.constant 0 : i32
      %dma_wait3A_167 = arith.constant 0 : i32
      %dma_wait3A_168 = tpu.memref_slice %arg2[%dma_wait3A_166, %dma_wait3A_167] : memref<10240x128xf32, #tpu.memory_space<hbm>> -> memref<128x128xf32, #tpu.memory_space<hbm>>
      %dma_wait3A_169 = arith.constant 0 : i32
      %dma_wait3A_170 = arith.constant 0 : i32
      %dma_wait3A_171 = tpu.memref_slice %arg2[%dma_wait3A_169, %dma_wait3A_170] : memref<10240x128xf32, #tpu.memory_space<hbm>> -> memref<128x128xf32, #tpu.memory_space<hbm>>
      tpu.wait_dma2 semaphore(%arg12 : memref<!tpu.dma_semaphore, #tpu.memory_space<semaphore_mem>>) src(%dma_wait3A_171 : memref<128x128xf32, #tpu.memory_space<hbm>>) dst(%arg8 : memref<128x128xf32, #tpu.memory_space<vmem>>)
      %add3A_172 = arith.constant 2 : i32
      %add3A_173 = arith.addi %add3A_165, %add3A_172 : i32
      %dma_start3A_174 = arith.constant 1 : i32
      %dma_start3A_175 = arith.constant 0 : i32
      %dma_start3A_176 = arith.constant 0 : i32
      %dma_start3A_177 = tpu.memref_slice %arg6[%dma_start3A_174, %dma_start3A_175, %dma_start3A_176] : memref<2x2x128xi32, #tpu.memory_space<vmem>> -> memref<1x2x128xi32, #tpu.memory_space<vmem>>
      %dma_start3A_178 = tpu.memref_squeeze %dma_start3A_177 : memref<1x2x128xi32, #tpu.memory_space<vmem>> -> memref<2x128xi32, #tpu.memory_space<vmem>>
      %dma_start3A_179 = arith.constant 0 : i32
      %dma_start3A_180 = arith.constant 0 : i32
      %dma_start3A_181 = tpu.memref_slice %arg3[%add3A, %add3A_173, %dma_start3A_179, %dma_start3A_180] : memref<32x82x2x128xi32, #tpu.memory_space<hbm>> -> memref<1x1x2x128xi32, #tpu.memory_space<hbm>>
      %dma_start3A_182 = tpu.memref_squeeze %dma_start3A_181 : memref<1x1x2x128xi32, #tpu.memory_space<hbm>> -> memref<2x128xi32, #tpu.memory_space<hbm>>
      %dma_start3A_183 = arith.constant 0 : i32
      %dma_start3A_184 = arith.constant 0 : i32
      %dma_start3A_185 = tpu.memref_slice %arg6[%dma_start3A_174, %dma_start3A_183, %dma_start3A_184] : memref<2x2x128xi32, #tpu.memory_space<vmem>> -> memref<1x2x128xi32, #tpu.memory_space<vmem>>
      %dma_start3A_186 = tpu.memref_squeeze %dma_start3A_185 : memref<1x2x128xi32, #tpu.memory_space<vmem>> -> memref<2x128xi32, #tpu.memory_space<vmem>>
      %dma_start3A_187 = arith.constant 0 : i32
      %dma_start3A_188 = arith.constant 0 : i32
      %dma_start3A_189 = tpu.memref_slice %arg3[%add3A, %add3A_173, %dma_start3A_187, %dma_start3A_188] : memref<32x82x2x128xi32, #tpu.memory_space<hbm>> -> memref<1x1x2x128xi32, #tpu.memory_space<hbm>>
      %dma_start3A_190 = tpu.memref_squeeze %dma_start3A_189 : memref<1x1x2x128xi32, #tpu.memory_space<hbm>> -> memref<2x128xi32, #tpu.memory_space<hbm>>
      tpu.enqueue_dma source(%dma_start3A_190 : memref<2x128xi32, #tpu.memory_space<hbm>>) target(%dma_start3A_186 : memref<2x128xi32, #tpu.memory_space<vmem>>) target_semaphore(%arg10 : memref<!tpu.dma_semaphore, #tpu.memory_space<semaphore_mem>>)
      %run_scoped3A_191 = arith.constant 1 : i32
      %run_scoped3A_192 = arith.constant 1 : i32
      "tpu.region"() ({
        %run_scoped3A_219 = tpu.sem_alloc : memref<!tpu.dma_semaphore, #tpu.memory_space<semaphore_mem>>
        %dma_start3A_220 = arith.constant 0 : i32
        %dma_start3A_221 = tpu.memref_slice %arg6[%run_scoped3A_191, %run_scoped3A_192, %dma_start3A_220] : memref<2x2x128xi32, #tpu.memory_space<vmem>> -> memref<1x1x128xi32, #tpu.memory_space<vmem>>
        %dma_start3A_222 = tpu.memref_squeeze %dma_start3A_221 : memref<1x1x128xi32, #tpu.memory_space<vmem>> -> memref<128xi32, #tpu.memory_space<vmem>>
        %dma_start3A_223 = arith.constant 0 : i32
        %dma_start3A_224 = arith.constant 0 : i32
        %dma_start3A_225 = tpu.memref_slice %arg13[%dma_start3A_223, %dma_start3A_224] : memref<10240x128xf32, #tpu.memory_space<vmem_shared>> -> memref<10240x128xf32, #tpu.memory_space<vmem_shared>>
        tpu.enqueue_indirect_dma source(%arg8 : memref<128x128xf32, #tpu.memory_space<vmem>>) target(%dma_start3A_225 : memref<10240x128xf32, #tpu.memory_space<vmem_shared>>) offsets(%dma_start3A_222 : memref<128xi32, #tpu.memory_space<vmem>>) semaphore(%run_scoped3A_219 : memref<!tpu.dma_semaphore, #tpu.memory_space<semaphore_mem>>) {add = true}
        %dma_wait3A_226 = arith.constant 0 : i32
        %dma_wait3A_227 = tpu.memref_slice %arg6[%run_scoped3A_191, %run_scoped3A_192, %dma_wait3A_226] : memref<2x2x128xi32, #tpu.memory_space<vmem>> -> memref<1x1x128xi32, #tpu.memory_space<vmem>>
        %dma_wait3A_228 = tpu.memref_squeeze %dma_wait3A_227 : memref<1x1x128xi32, #tpu.memory_space<vmem>> -> memref<128xi32, #tpu.memory_space<vmem>>
        %dma_wait3A_229 = arith.constant 0 : i32
        %dma_wait3A_230 = arith.constant 0 : i32
        %dma_wait3A_231 = tpu.memref_slice %arg13[%dma_wait3A_229, %dma_wait3A_230] : memref<10240x128xf32, #tpu.memory_space<vmem_shared>> -> memref<10240x128xf32, #tpu.memory_space<vmem_shared>>
        tpu.wait_indirect_dma semaphore(%run_scoped3A_219 : memref<!tpu.dma_semaphore, #tpu.memory_space<semaphore_mem>>) src(%arg8 : memref<128x128xf32, #tpu.memory_space<vmem>>) dst(%dma_wait3A_231 : memref<10240x128xf32, #tpu.memory_space<vmem_shared>>)
        tpu.yield
      }) : () -> ()
      %dma_wait3A_193 = arith.constant 0 : i32
      %dma_wait3A_194 = arith.constant 1 : i32
      %dma_wait3A_195 = arith.constant 0 : i32
      %dma_wait3A_196 = arith.constant 0 : i32
      %dma_wait3A_197 = tpu.memref_slice %arg6[%dma_wait3A_194, %dma_wait3A_195, %dma_wait3A_196] : memref<2x2x128xi32, #tpu.memory_space<vmem>> -> memref<1x2x128xi32, #tpu.memory_space<vmem>>
      %dma_wait3A_198 = tpu.memref_squeeze %dma_wait3A_197 : memref<1x2x128xi32, #tpu.memory_space<vmem>> -> memref<2x128xi32, #tpu.memory_space<vmem>>
      %dma_wait3A_199 = arith.constant 0 : i32
      %dma_wait3A_200 = arith.constant 0 : i32
      %dma_wait3A_201 = tpu.memref_slice %arg3[%add3A, %dma_wait3A_193, %dma_wait3A_199, %dma_wait3A_200] : memref<32x82x2x128xi32, #tpu.memory_space<hbm>> -> memref<1x1x2x128xi32, #tpu.memory_space<hbm>>
      %dma_wait3A_202 = tpu.memref_squeeze %dma_wait3A_201 : memref<1x1x2x128xi32, #tpu.memory_space<hbm>> -> memref<2x128xi32, #tpu.memory_space<hbm>>
      %dma_wait3A_203 = arith.constant 0 : i32
      %dma_wait3A_204 = arith.constant 0 : i32
      %dma_wait3A_205 = tpu.memref_slice %arg6[%dma_wait3A_194, %dma_wait3A_203, %dma_wait3A_204] : memref<2x2x128xi32, #tpu.memory_space<vmem>> -> memref<1x2x128xi32, #tpu.memory_space<vmem>>
      %dma_wait3A_206 = tpu.memref_squeeze %dma_wait3A_205 : memref<1x2x128xi32, #tpu.memory_space<vmem>> -> memref<2x128xi32, #tpu.memory_space<vmem>>
      %dma_wait3A_207 = arith.constant 0 : i32
      %dma_wait3A_208 = arith.constant 0 : i32
      %dma_wait3A_209 = tpu.memref_slice %arg3[%add3A, %dma_wait3A_193, %dma_wait3A_207, %dma_wait3A_208] : memref<32x82x2x128xi32, #tpu.memory_space<hbm>> -> memref<1x1x2x128xi32, #tpu.memory_space<hbm>>
      %dma_wait3A_210 = tpu.memref_squeeze %dma_wait3A_209 : memref<1x1x2x128xi32, #tpu.memory_space<hbm>> -> memref<2x128xi32, #tpu.memory_space<hbm>>
      tpu.wait_dma2 semaphore(%arg10 : memref<!tpu.dma_semaphore, #tpu.memory_space<semaphore_mem>>) src(%dma_wait3A_210 : memref<2x128xi32, #tpu.memory_space<hbm>>) dst(%dma_wait3A_206 : memref<2x128xi32, #tpu.memory_space<vmem>>)
      %dma_start3A_211 = arith.constant 1 : i32
      %dma_start3A_212 = arith.constant 0 : i32
      %dma_start3A_213 = arith.constant 0 : i32
      %dma_start3A_214 = tpu.memref_slice %arg6[%dma_start3A_211, %dma_start3A_212, %dma_start3A_213] : memref<2x2x128xi32, #tpu.memory_space<vmem>> -> memref<1x1x128xi32, #tpu.memory_space<vmem>>
      %dma_start3A_215 = tpu.memref_squeeze %dma_start3A_214 : memref<1x1x128xi32, #tpu.memory_space<vmem>> -> memref<128xi32, #tpu.memory_space<vmem>>
      %dma_start3A_216 = arith.constant 0 : i32
      %dma_start3A_217 = arith.constant 0 : i32
      %dma_start3A_218 = tpu.memref_slice %arg2[%dma_start3A_216, %dma_start3A_217] : memref<10240x128xf32, #tpu.memory_space<hbm>> -> memref<10240x128xf32, #tpu.memory_space<hbm>>
      tpu.enqueue_indirect_dma source(%dma_start3A_218 : memref<10240x128xf32, #tpu.memory_space<hbm>>) target(%arg8 : memref<128x128xf32, #tpu.memory_space<vmem>>) offsets(%dma_start3A_215 : memref<128xi32, #tpu.memory_space<vmem>>) semaphore(%arg12 : memref<!tpu.dma_semaphore, #tpu.memory_space<semaphore_mem>>)
    }
    %scan3A_93 = arith.constant 40 : i32
    %dma_wait3A_94 = arith.constant 0 : i32
    %dma_wait3A_95 = arith.constant 0 : i32
    %dma_wait3A_96 = tpu.memref_slice %arg2[%dma_wait3A_94, %dma_wait3A_95] : memref<10240x128xf32, #tpu.memory_space<hbm>> -> memref<128x128xf32, #tpu.memory_space<hbm>>
    %dma_wait3A_97 = arith.constant 0 : i32
    %dma_wait3A_98 = arith.constant 0 : i32
    %dma_wait3A_99 = tpu.memref_slice %arg2[%dma_wait3A_97, %dma_wait3A_98] : memref<10240x128xf32, #tpu.memory_space<hbm>> -> memref<128x128xf32, #tpu.memory_space<hbm>>
    tpu.wait_dma2 semaphore(%arg11 : memref<!tpu.dma_semaphore, #tpu.memory_space<semaphore_mem>>) src(%dma_wait3A_99 : memref<128x128xf32, #tpu.memory_space<hbm>>) dst(%arg7 : memref<128x128xf32, #tpu.memory_space<vmem>>)
    %dma_wait3A_100 = arith.constant 0 : i32
    %dma_wait3A_101 = arith.constant 0 : i32
    %dma_wait3A_102 = tpu.memref_slice %arg2[%dma_wait3A_100, %dma_wait3A_101] : memref<10240x128xf32, #tpu.memory_space<hbm>> -> memref<128x128xf32, #tpu.memory_space<hbm>>
    %dma_wait3A_103 = arith.constant 0 : i32
    %dma_wait3A_104 = arith.constant 0 : i32
    %dma_wait3A_105 = tpu.memref_slice %arg2[%dma_wait3A_103, %dma_wait3A_104] : memref<10240x128xf32, #tpu.memory_space<hbm>> -> memref<128x128xf32, #tpu.memory_space<hbm>>
    tpu.wait_dma2 semaphore(%arg12 : memref<!tpu.dma_semaphore, #tpu.memory_space<semaphore_mem>>) src(%dma_wait3A_105 : memref<128x128xf32, #tpu.memory_space<hbm>>) dst(%arg8 : memref<128x128xf32, #tpu.memory_space<vmem>>)
    %barrier3A_106 = arith.constant 0 : index
    tpu.barrier barrier_id(%barrier3A_106)
    "tpu.region"() ({
      %run_scoped3A = tpu.sem_alloc : memref<!tpu.dma_semaphore, #tpu.memory_space<semaphore_mem>>
      %dma_start3A_107 = arith.constant 0 : i32
      %dma_start3A_108 = tpu.memref_slice %arg5[%arg0, %mul3A_2, %dma_start3A_107] : memref<2x10240x128xf32, #tpu.memory_space<hbm>> -> memref<1x640x128xf32, #tpu.memory_space<hbm>>
      %dma_start3A_109 = tpu.memref_squeeze %dma_start3A_108 : memref<1x640x128xf32, #tpu.memory_space<hbm>> -> memref<640x128xf32, #tpu.memory_space<hbm>>
      %dma_start3A_110 = arith.constant 0 : i32
      %dma_start3A_111 = tpu.memref_slice %arg13[%mul3A_2, %dma_start3A_110] : memref<10240x128xf32, #tpu.memory_space<vmem_shared>> -> memref<640x128xf32, #tpu.memory_space<vmem_shared>>
      tpu.enqueue_dma source(%dma_start3A_111 : memref<640x128xf32, #tpu.memory_space<vmem_shared>>) target(%dma_start3A_109 : memref<640x128xf32, #tpu.memory_space<hbm>>) target_semaphore(%run_scoped3A : memref<!tpu.dma_semaphore, #tpu.memory_space<semaphore_mem>>)
      %dma_wait3A_112 = arith.constant 0 : i32
      %dma_wait3A_113 = tpu.memref_slice %arg5[%arg0, %mul3A_2, %dma_wait3A_112] : memref<2x10240x128xf32, #tpu.memory_space<hbm>> -> memref<1x640x128xf32, #tpu.memory_space<hbm>>
      %dma_wait3A_114 = tpu.memref_squeeze %dma_wait3A_113 : memref<1x640x128xf32, #tpu.memory_space<hbm>> -> memref<640x128xf32, #tpu.memory_space<hbm>>
      %dma_wait3A_115 = arith.constant 0 : i32
      %dma_wait3A_116 = tpu.memref_slice %arg13[%mul3A_2, %dma_wait3A_115] : memref<10240x128xf32, #tpu.memory_space<vmem_shared>> -> memref<640x128xf32, #tpu.memory_space<vmem_shared>>
      tpu.wait_dma2 semaphore(%run_scoped3A : memref<!tpu.dma_semaphore, #tpu.memory_space<semaphore_mem>>) src(%dma_wait3A_116 : memref<640x128xf32, #tpu.memory_space<vmem_shared>>) dst(%dma_wait3A_114 : memref<640x128xf32, #tpu.memory_space<hbm>>)
      tpu.yield
    }) : () -> ()
    return
  }
}

#map = affine_map<(d0, d1) -> (0, 0)>
#map1 = affine_map<(d0, d1) -> (0, 0, 0, 0)>
#map2 = affine_map<(d0, d1) -> (0, 0, 0)>
module attributes {stable_mosaic.version = 14 : i64} {
  func.func @_agg_body(%arg0: i32, %arg1: i32, %arg2: memref<10240x128xf32, #tpu.memory_space<hbm>>, %arg3: memref<32x82x2x128xi32, #tpu.memory_space<hbm>>, %arg4: memref<10240x128xf32, #tpu.memory_space<hbm>>, %arg5: memref<2x10240x128xf32, #tpu.memory_space<hbm>>, %arg6: memref<2x2x128xi32, #tpu.memory_space<vmem>>, %arg7: memref<128x128xf32, #tpu.memory_space<vmem>>, %arg8: memref<128x128xf32, #tpu.memory_space<vmem>>, %arg9: memref<!tpu.dma_semaphore, #tpu.memory_space<semaphore_mem>>, %arg10: memref<!tpu.dma_semaphore, #tpu.memory_space<semaphore_mem>>, %arg11: memref<!tpu.dma_semaphore, #tpu.memory_space<semaphore_mem>>, %arg12: memref<!tpu.dma_semaphore, #tpu.memory_space<semaphore_mem>>, %arg13: memref<10240x128xf32, #tpu.memory_space<vmem_shared>>) attributes {dimension_semantics = [#tpu.dimension_semantics<core_parallel>, #tpu.dimension_semantics<subcore_parallel>], iteration_bounds = array<i64: 2, 16>, scalar_prefetch = 0 : i64, scratch_operands = 8 : i64, tpu.core_type = #tpu.core_type<sc_vector_subcore>, window_params = [{transform_indices = #map}, {transform_indices = #map1}, {transform_indices = #map}, {transform_indices = #map2}]} {
    %mul3A = arith.constant 2 : i32
    %mul3A_0 = arith.muli %arg1, %mul3A : i32
    %add3A = arith.addi %mul3A_0, %arg0 : i32
    %mul3A_1 = arith.constant 640 : i32
    %mul3A_2 = arith.muli %arg1, %mul3A_1 : i32
    "tpu.region"() ({
      %run_scoped3A = tpu.sem_alloc : memref<!tpu.dma_semaphore, #tpu.memory_space<semaphore_mem>>
      %dma_start3A_107 = arith.constant 0 : i32
      %dma_start3A_108 = tpu.memref_slice %arg13[%mul3A_2, %dma_start3A_107] : memref<10240x128xf32, #tpu.memory_space<vmem_shared>> -> memref<640x128xf32, #tpu.memory_space<vmem_shared>>
      %dma_start3A_109 = arith.constant 0 : i32
      %dma_start3A_110 = tpu.memref_slice %arg4[%mul3A_2, %dma_start3A_109] : memref<10240x128xf32, #tpu.memory_space<hbm>> -> memref<640x128xf32, #tpu.memory_space<hbm>>
      tpu.enqueue_dma source(%dma_start3A_110 : memref<640x128xf32, #tpu.memory_space<hbm>>) target(%dma_start3A_108 : memref<640x128xf32, #tpu.memory_space<vmem_shared>>) target_semaphore(%run_scoped3A : memref<!tpu.dma_semaphore, #tpu.memory_space<semaphore_mem>>)
      %dma_wait3A_111 = arith.constant 0 : i32
      %dma_wait3A_112 = tpu.memref_slice %arg13[%mul3A_2, %dma_wait3A_111] : memref<10240x128xf32, #tpu.memory_space<vmem_shared>> -> memref<640x128xf32, #tpu.memory_space<vmem_shared>>
      %dma_wait3A_113 = arith.constant 0 : i32
      %dma_wait3A_114 = tpu.memref_slice %arg4[%mul3A_2, %dma_wait3A_113] : memref<10240x128xf32, #tpu.memory_space<hbm>> -> memref<640x128xf32, #tpu.memory_space<hbm>>
      tpu.wait_dma2 semaphore(%run_scoped3A : memref<!tpu.dma_semaphore, #tpu.memory_space<semaphore_mem>>) src(%dma_wait3A_114 : memref<640x128xf32, #tpu.memory_space<hbm>>) dst(%dma_wait3A_112 : memref<640x128xf32, #tpu.memory_space<vmem_shared>>)
      tpu.yield
    }) : () -> ()
    %barrier3A = arith.constant 0 : index
    tpu.barrier barrier_id(%barrier3A)
    %dma_start3A = arith.constant 0 : i32
    %dma_start3A_3 = arith.constant 0 : i32
    %dma_start3A_4 = arith.constant 0 : i32
    %dma_start3A_5 = arith.constant 0 : i32
    %dma_start3A_6 = tpu.memref_slice %arg6[%dma_start3A_3, %dma_start3A_4, %dma_start3A_5] : memref<2x2x128xi32, #tpu.memory_space<vmem>> -> memref<1x2x128xi32, #tpu.memory_space<vmem>>
    %dma_start3A_7 = tpu.memref_squeeze %dma_start3A_6 : memref<1x2x128xi32, #tpu.memory_space<vmem>> -> memref<2x128xi32, #tpu.memory_space<vmem>>
    %dma_start3A_8 = arith.constant 0 : i32
    %dma_start3A_9 = arith.constant 0 : i32
    %dma_start3A_10 = tpu.memref_slice %arg3[%add3A, %dma_start3A, %dma_start3A_8, %dma_start3A_9] : memref<32x82x2x128xi32, #tpu.memory_space<hbm>> -> memref<1x1x2x128xi32, #tpu.memory_space<hbm>>
    %dma_start3A_11 = tpu.memref_squeeze %dma_start3A_10 : memref<1x1x2x128xi32, #tpu.memory_space<hbm>> -> memref<2x128xi32, #tpu.memory_space<hbm>>
    %dma_start3A_12 = arith.constant 0 : i32
    %dma_start3A_13 = arith.constant 0 : i32
    %dma_start3A_14 = tpu.memref_slice %arg6[%dma_start3A_3, %dma_start3A_12, %dma_start3A_13] : memref<2x2x128xi32, #tpu.memory_space<vmem>> -> memref<1x2x128xi32, #tpu.memory_space<vmem>>
    %dma_start3A_15 = tpu.memref_squeeze %dma_start3A_14 : memref<1x2x128xi32, #tpu.memory_space<vmem>> -> memref<2x128xi32, #tpu.memory_space<vmem>>
    %dma_start3A_16 = arith.constant 0 : i32
    %dma_start3A_17 = arith.constant 0 : i32
    %dma_start3A_18 = tpu.memref_slice %arg3[%add3A, %dma_start3A, %dma_start3A_16, %dma_start3A_17] : memref<32x82x2x128xi32, #tpu.memory_space<hbm>> -> memref<1x1x2x128xi32, #tpu.memory_space<hbm>>
    %dma_start3A_19 = tpu.memref_squeeze %dma_start3A_18 : memref<1x1x2x128xi32, #tpu.memory_space<hbm>> -> memref<2x128xi32, #tpu.memory_space<hbm>>
    tpu.enqueue_dma source(%dma_start3A_19 : memref<2x128xi32, #tpu.memory_space<hbm>>) target(%dma_start3A_15 : memref<2x128xi32, #tpu.memory_space<vmem>>) target_semaphore(%arg9 : memref<!tpu.dma_semaphore, #tpu.memory_space<semaphore_mem>>)
    %dma_start3A_20 = arith.constant 1 : i32
    %dma_start3A_21 = arith.constant 1 : i32
    %dma_start3A_22 = arith.constant 0 : i32
    %dma_start3A_23 = arith.constant 0 : i32
    %dma_start3A_24 = tpu.memref_slice %arg6[%dma_start3A_21, %dma_start3A_22, %dma_start3A_23] : memref<2x2x128xi32, #tpu.memory_space<vmem>> -> memref<1x2x128xi32, #tpu.memory_space<vmem>>
    %dma_start3A_25 = tpu.memref_squeeze %dma_start3A_24 : memref<1x2x128xi32, #tpu.memory_space<vmem>> -> memref<2x128xi32, #tpu.memory_space<vmem>>
    %dma_start3A_26 = arith.constant 0 : i32
    %dma_start3A_27 = arith.constant 0 : i32
    %dma_start3A_28 = tpu.memref_slice %arg3[%add3A, %dma_start3A_20, %dma_start3A_26, %dma_start3A_27] : memref<32x82x2x128xi32, #tpu.memory_space<hbm>> -> memref<1x1x2x128xi32, #tpu.memory_space<hbm>>
    %dma_start3A_29 = tpu.memref_squeeze %dma_start3A_28 : memref<1x1x2x128xi32, #tpu.memory_space<hbm>> -> memref<2x128xi32, #tpu.memory_space<hbm>>
    %dma_start3A_30 = arith.constant 0 : i32
    %dma_start3A_31 = arith.constant 0 : i32
    %dma_start3A_32 = tpu.memref_slice %arg6[%dma_start3A_21, %dma_start3A_30, %dma_start3A_31] : memref<2x2x128xi32, #tpu.memory_space<vmem>> -> memref<1x2x128xi32, #tpu.memory_space<vmem>>
    %dma_start3A_33 = tpu.memref_squeeze %dma_start3A_32 : memref<1x2x128xi32, #tpu.memory_space<vmem>> -> memref<2x128xi32, #tpu.memory_space<vmem>>
    %dma_start3A_34 = arith.constant 0 : i32
    %dma_start3A_35 = arith.constant 0 : i32
    %dma_start3A_36 = tpu.memref_slice %arg3[%add3A, %dma_start3A_20, %dma_start3A_34, %dma_start3A_35] : memref<32x82x2x128xi32, #tpu.memory_space<hbm>> -> memref<1x1x2x128xi32, #tpu.memory_space<hbm>>
    %dma_start3A_37 = tpu.memref_squeeze %dma_start3A_36 : memref<1x1x2x128xi32, #tpu.memory_space<hbm>> -> memref<2x128xi32, #tpu.memory_space<hbm>>
    tpu.enqueue_dma source(%dma_start3A_37 : memref<2x128xi32, #tpu.memory_space<hbm>>) target(%dma_start3A_33 : memref<2x128xi32, #tpu.memory_space<vmem>>) target_semaphore(%arg10 : memref<!tpu.dma_semaphore, #tpu.memory_space<semaphore_mem>>)
    %dma_wait3A = arith.constant 0 : i32
    %dma_wait3A_38 = arith.constant 0 : i32
    %dma_wait3A_39 = arith.constant 0 : i32
    %dma_wait3A_40 = arith.constant 0 : i32
    %dma_wait3A_41 = tpu.memref_slice %arg6[%dma_wait3A_38, %dma_wait3A_39, %dma_wait3A_40] : memref<2x2x128xi32, #tpu.memory_space<vmem>> -> memref<1x2x128xi32, #tpu.memory_space<vmem>>
    %dma_wait3A_42 = tpu.memref_squeeze %dma_wait3A_41 : memref<1x2x128xi32, #tpu.memory_space<vmem>> -> memref<2x128xi32, #tpu.memory_space<vmem>>
    %dma_wait3A_43 = arith.constant 0 : i32
    %dma_wait3A_44 = arith.constant 0 : i32
    %dma_wait3A_45 = tpu.memref_slice %arg3[%add3A, %dma_wait3A, %dma_wait3A_43, %dma_wait3A_44] : memref<32x82x2x128xi32, #tpu.memory_space<hbm>> -> memref<1x1x2x128xi32, #tpu.memory_space<hbm>>
    %dma_wait3A_46 = tpu.memref_squeeze %dma_wait3A_45 : memref<1x1x2x128xi32, #tpu.memory_space<hbm>> -> memref<2x128xi32, #tpu.memory_space<hbm>>
    %dma_wait3A_47 = arith.constant 0 : i32
    %dma_wait3A_48 = arith.constant 0 : i32
    %dma_wait3A_49 = tpu.memref_slice %arg6[%dma_wait3A_38, %dma_wait3A_47, %dma_wait3A_48] : memref<2x2x128xi32, #tpu.memory_space<vmem>> -> memref<1x2x128xi32, #tpu.memory_space<vmem>>
    %dma_wait3A_50 = tpu.memref_squeeze %dma_wait3A_49 : memref<1x2x128xi32, #tpu.memory_space<vmem>> -> memref<2x128xi32, #tpu.memory_space<vmem>>
    %dma_wait3A_51 = arith.constant 0 : i32
    %dma_wait3A_52 = arith.constant 0 : i32
    %dma_wait3A_53 = tpu.memref_slice %arg3[%add3A, %dma_wait3A, %dma_wait3A_51, %dma_wait3A_52] : memref<32x82x2x128xi32, #tpu.memory_space<hbm>> -> memref<1x1x2x128xi32, #tpu.memory_space<hbm>>
    %dma_wait3A_54 = tpu.memref_squeeze %dma_wait3A_53 : memref<1x1x2x128xi32, #tpu.memory_space<hbm>> -> memref<2x128xi32, #tpu.memory_space<hbm>>
    tpu.wait_dma2 semaphore(%arg9 : memref<!tpu.dma_semaphore, #tpu.memory_space<semaphore_mem>>) src(%dma_wait3A_54 : memref<2x128xi32, #tpu.memory_space<hbm>>) dst(%dma_wait3A_50 : memref<2x128xi32, #tpu.memory_space<vmem>>)
    %dma_start3A_55 = arith.constant 0 : i32
    %dma_start3A_56 = arith.constant 0 : i32
    %dma_start3A_57 = arith.constant 0 : i32
    %dma_start3A_58 = tpu.memref_slice %arg6[%dma_start3A_55, %dma_start3A_56, %dma_start3A_57] : memref<2x2x128xi32, #tpu.memory_space<vmem>> -> memref<1x1x128xi32, #tpu.memory_space<vmem>>
    %dma_start3A_59 = tpu.memref_squeeze %dma_start3A_58 : memref<1x1x128xi32, #tpu.memory_space<vmem>> -> memref<128xi32, #tpu.memory_space<vmem>>
    %dma_start3A_60 = arith.constant 0 : i32
    %dma_start3A_61 = arith.constant 0 : i32
    %dma_start3A_62 = tpu.memref_slice %arg2[%dma_start3A_60, %dma_start3A_61] : memref<10240x128xf32, #tpu.memory_space<hbm>> -> memref<10240x128xf32, #tpu.memory_space<hbm>>
    tpu.enqueue_indirect_dma source(%dma_start3A_62 : memref<10240x128xf32, #tpu.memory_space<hbm>>) target(%arg7 : memref<128x128xf32, #tpu.memory_space<vmem>>) offsets(%dma_start3A_59 : memref<128xi32, #tpu.memory_space<vmem>>) semaphore(%arg11 : memref<!tpu.dma_semaphore, #tpu.memory_space<semaphore_mem>>)
    %dma_wait3A_63 = arith.constant 1 : i32
    %dma_wait3A_64 = arith.constant 1 : i32
    %dma_wait3A_65 = arith.constant 0 : i32
    %dma_wait3A_66 = arith.constant 0 : i32
    %dma_wait3A_67 = tpu.memref_slice %arg6[%dma_wait3A_64, %dma_wait3A_65, %dma_wait3A_66] : memref<2x2x128xi32, #tpu.memory_space<vmem>> -> memref<1x2x128xi32, #tpu.memory_space<vmem>>
    %dma_wait3A_68 = tpu.memref_squeeze %dma_wait3A_67 : memref<1x2x128xi32, #tpu.memory_space<vmem>> -> memref<2x128xi32, #tpu.memory_space<vmem>>
    %dma_wait3A_69 = arith.constant 0 : i32
    %dma_wait3A_70 = arith.constant 0 : i32
    %dma_wait3A_71 = tpu.memref_slice %arg3[%add3A, %dma_wait3A_63, %dma_wait3A_69, %dma_wait3A_70] : memref<32x82x2x128xi32, #tpu.memory_space<hbm>> -> memref<1x1x2x128xi32, #tpu.memory_space<hbm>>
    %dma_wait3A_72 = tpu.memref_squeeze %dma_wait3A_71 : memref<1x1x2x128xi32, #tpu.memory_space<hbm>> -> memref<2x128xi32, #tpu.memory_space<hbm>>
    %dma_wait3A_73 = arith.constant 0 : i32
    %dma_wait3A_74 = arith.constant 0 : i32
    %dma_wait3A_75 = tpu.memref_slice %arg6[%dma_wait3A_64, %dma_wait3A_73, %dma_wait3A_74] : memref<2x2x128xi32, #tpu.memory_space<vmem>> -> memref<1x2x128xi32, #tpu.memory_space<vmem>>
    %dma_wait3A_76 = tpu.memref_squeeze %dma_wait3A_75 : memref<1x2x128xi32, #tpu.memory_space<vmem>> -> memref<2x128xi32, #tpu.memory_space<vmem>>
    %dma_wait3A_77 = arith.constant 0 : i32
    %dma_wait3A_78 = arith.constant 0 : i32
    %dma_wait3A_79 = tpu.memref_slice %arg3[%add3A, %dma_wait3A_63, %dma_wait3A_77, %dma_wait3A_78] : memref<32x82x2x128xi32, #tpu.memory_space<hbm>> -> memref<1x1x2x128xi32, #tpu.memory_space<hbm>>
    %dma_wait3A_80 = tpu.memref_squeeze %dma_wait3A_79 : memref<1x1x2x128xi32, #tpu.memory_space<hbm>> -> memref<2x128xi32, #tpu.memory_space<hbm>>
    tpu.wait_dma2 semaphore(%arg10 : memref<!tpu.dma_semaphore, #tpu.memory_space<semaphore_mem>>) src(%dma_wait3A_80 : memref<2x128xi32, #tpu.memory_space<hbm>>) dst(%dma_wait3A_76 : memref<2x128xi32, #tpu.memory_space<vmem>>)
    %dma_start3A_81 = arith.constant 1 : i32
    %dma_start3A_82 = arith.constant 0 : i32
    %dma_start3A_83 = arith.constant 0 : i32
    %dma_start3A_84 = tpu.memref_slice %arg6[%dma_start3A_81, %dma_start3A_82, %dma_start3A_83] : memref<2x2x128xi32, #tpu.memory_space<vmem>> -> memref<1x1x128xi32, #tpu.memory_space<vmem>>
    %dma_start3A_85 = tpu.memref_squeeze %dma_start3A_84 : memref<1x1x128xi32, #tpu.memory_space<vmem>> -> memref<128xi32, #tpu.memory_space<vmem>>
    %dma_start3A_86 = arith.constant 0 : i32
    %dma_start3A_87 = arith.constant 0 : i32
    %dma_start3A_88 = tpu.memref_slice %arg2[%dma_start3A_86, %dma_start3A_87] : memref<10240x128xf32, #tpu.memory_space<hbm>> -> memref<10240x128xf32, #tpu.memory_space<hbm>>
    tpu.enqueue_indirect_dma source(%dma_start3A_88 : memref<10240x128xf32, #tpu.memory_space<hbm>>) target(%arg8 : memref<128x128xf32, #tpu.memory_space<vmem>>) offsets(%dma_start3A_85 : memref<128xi32, #tpu.memory_space<vmem>>) semaphore(%arg12 : memref<!tpu.dma_semaphore, #tpu.memory_space<semaphore_mem>>)
    %scan3A = arith.constant 0 : i32
    %scan3A_89 = arith.constant 0 : i32
    %scan3A_90 = arith.constant 40 : i32
    %scan3A_91 = arith.addi %scan3A_89, %scan3A_90 : i32
    %scan3A_92 = arith.constant 1 : i32
    scf.for %scan3A_107 = %scan3A_89 to %scan3A_91 step %scan3A_92  : i32 {
      %mul3A_108 = arith.constant 2 : i32
      %mul3A_109 = arith.muli %mul3A_108, %scan3A_107 : i32
      %add3A_110 = arith.constant 0 : i32
      %add3A_111 = arith.addi %mul3A_109, %add3A_110 : i32
      %dma_wait3A_112 = arith.constant 0 : i32
      %dma_wait3A_113 = arith.constant 0 : i32
      %dma_wait3A_114 = tpu.memref_slice %arg2[%dma_wait3A_112, %dma_wait3A_113] : memref<10240x128xf32, #tpu.memory_space<hbm>> -> memref<128x128xf32, #tpu.memory_space<hbm>>
      %dma_wait3A_115 = arith.constant 0 : i32
      %dma_wait3A_116 = arith.constant 0 : i32
      %dma_wait3A_117 = tpu.memref_slice %arg2[%dma_wait3A_115, %dma_wait3A_116] : memref<10240x128xf32, #tpu.memory_space<hbm>> -> memref<128x128xf32, #tpu.memory_space<hbm>>
      tpu.wait_dma2 semaphore(%arg11 : memref<!tpu.dma_semaphore, #tpu.memory_space<semaphore_mem>>) src(%dma_wait3A_117 : memref<128x128xf32, #tpu.memory_space<hbm>>) dst(%arg7 : memref<128x128xf32, #tpu.memory_space<vmem>>)
      %add3A_118 = arith.constant 2 : i32
      %add3A_119 = arith.addi %add3A_111, %add3A_118 : i32
      %dma_start3A_120 = arith.constant 0 : i32
      %dma_start3A_121 = arith.constant 0 : i32
      %dma_start3A_122 = arith.constant 0 : i32
      %dma_start3A_123 = tpu.memref_slice %arg6[%dma_start3A_120, %dma_start3A_121, %dma_start3A_122] : memref<2x2x128xi32, #tpu.memory_space<vmem>> -> memref<1x2x128xi32, #tpu.memory_space<vmem>>
      %dma_start3A_124 = tpu.memref_squeeze %dma_start3A_123 : memref<1x2x128xi32, #tpu.memory_space<vmem>> -> memref<2x128xi32, #tpu.memory_space<vmem>>
      %dma_start3A_125 = arith.constant 0 : i32
      %dma_start3A_126 = arith.constant 0 : i32
      %dma_start3A_127 = tpu.memref_slice %arg3[%add3A, %add3A_119, %dma_start3A_125, %dma_start3A_126] : memref<32x82x2x128xi32, #tpu.memory_space<hbm>> -> memref<1x1x2x128xi32, #tpu.memory_space<hbm>>
      %dma_start3A_128 = tpu.memref_squeeze %dma_start3A_127 : memref<1x1x2x128xi32, #tpu.memory_space<hbm>> -> memref<2x128xi32, #tpu.memory_space<hbm>>
      %dma_start3A_129 = arith.constant 0 : i32
      %dma_start3A_130 = arith.constant 0 : i32
      %dma_start3A_131 = tpu.memref_slice %arg6[%dma_start3A_120, %dma_start3A_129, %dma_start3A_130] : memref<2x2x128xi32, #tpu.memory_space<vmem>> -> memref<1x2x128xi32, #tpu.memory_space<vmem>>
      %dma_start3A_132 = tpu.memref_squeeze %dma_start3A_131 : memref<1x2x128xi32, #tpu.memory_space<vmem>> -> memref<2x128xi32, #tpu.memory_space<vmem>>
      %dma_start3A_133 = arith.constant 0 : i32
      %dma_start3A_134 = arith.constant 0 : i32
      %dma_start3A_135 = tpu.memref_slice %arg3[%add3A, %add3A_119, %dma_start3A_133, %dma_start3A_134] : memref<32x82x2x128xi32, #tpu.memory_space<hbm>> -> memref<1x1x2x128xi32, #tpu.memory_space<hbm>>
      %dma_start3A_136 = tpu.memref_squeeze %dma_start3A_135 : memref<1x1x2x128xi32, #tpu.memory_space<hbm>> -> memref<2x128xi32, #tpu.memory_space<hbm>>
      tpu.enqueue_dma source(%dma_start3A_136 : memref<2x128xi32, #tpu.memory_space<hbm>>) target(%dma_start3A_132 : memref<2x128xi32, #tpu.memory_space<vmem>>) target_semaphore(%arg9 : memref<!tpu.dma_semaphore, #tpu.memory_space<semaphore_mem>>)
      %run_scoped3A = arith.constant 0 : i32
      %run_scoped3A_137 = arith.constant 1 : i32
      "tpu.region"() ({
        %run_scoped3A_219 = tpu.sem_alloc : memref<!tpu.dma_semaphore, #tpu.memory_space<semaphore_mem>>
        %dma_start3A_220 = arith.constant 0 : i32
        %dma_start3A_221 = tpu.memref_slice %arg6[%run_scoped3A, %run_scoped3A_137, %dma_start3A_220] : memref<2x2x128xi32, #tpu.memory_space<vmem>> -> memref<1x1x128xi32, #tpu.memory_space<vmem>>
        %dma_start3A_222 = tpu.memref_squeeze %dma_start3A_221 : memref<1x1x128xi32, #tpu.memory_space<vmem>> -> memref<128xi32, #tpu.memory_space<vmem>>
        %dma_start3A_223 = arith.constant 0 : i32
        %dma_start3A_224 = arith.constant 0 : i32
        %dma_start3A_225 = tpu.memref_slice %arg13[%dma_start3A_223, %dma_start3A_224] : memref<10240x128xf32, #tpu.memory_space<vmem_shared>> -> memref<10240x128xf32, #tpu.memory_space<vmem_shared>>
        tpu.enqueue_indirect_dma source(%arg7 : memref<128x128xf32, #tpu.memory_space<vmem>>) target(%dma_start3A_225 : memref<10240x128xf32, #tpu.memory_space<vmem_shared>>) offsets(%dma_start3A_222 : memref<128xi32, #tpu.memory_space<vmem>>) semaphore(%run_scoped3A_219 : memref<!tpu.dma_semaphore, #tpu.memory_space<semaphore_mem>>) {add = true}
        %dma_wait3A_226 = arith.constant 0 : i32
        %dma_wait3A_227 = tpu.memref_slice %arg6[%run_scoped3A, %run_scoped3A_137, %dma_wait3A_226] : memref<2x2x128xi32, #tpu.memory_space<vmem>> -> memref<1x1x128xi32, #tpu.memory_space<vmem>>
        %dma_wait3A_228 = tpu.memref_squeeze %dma_wait3A_227 : memref<1x1x128xi32, #tpu.memory_space<vmem>> -> memref<128xi32, #tpu.memory_space<vmem>>
        %dma_wait3A_229 = arith.constant 0 : i32
        %dma_wait3A_230 = arith.constant 0 : i32
        %dma_wait3A_231 = tpu.memref_slice %arg13[%dma_wait3A_229, %dma_wait3A_230] : memref<10240x128xf32, #tpu.memory_space<vmem_shared>> -> memref<10240x128xf32, #tpu.memory_space<vmem_shared>>
        tpu.wait_indirect_dma semaphore(%run_scoped3A_219 : memref<!tpu.dma_semaphore, #tpu.memory_space<semaphore_mem>>) src(%arg7 : memref<128x128xf32, #tpu.memory_space<vmem>>) dst(%dma_wait3A_231 : memref<10240x128xf32, #tpu.memory_space<vmem_shared>>)
        tpu.yield
      }) : () -> ()
      %dma_wait3A_138 = arith.constant 0 : i32
      %dma_wait3A_139 = arith.constant 0 : i32
      %dma_wait3A_140 = arith.constant 0 : i32
      %dma_wait3A_141 = arith.constant 0 : i32
      %dma_wait3A_142 = tpu.memref_slice %arg6[%dma_wait3A_139, %dma_wait3A_140, %dma_wait3A_141] : memref<2x2x128xi32, #tpu.memory_space<vmem>> -> memref<1x2x128xi32, #tpu.memory_space<vmem>>
      %dma_wait3A_143 = tpu.memref_squeeze %dma_wait3A_142 : memref<1x2x128xi32, #tpu.memory_space<vmem>> -> memref<2x128xi32, #tpu.memory_space<vmem>>
      %dma_wait3A_144 = arith.constant 0 : i32
      %dma_wait3A_145 = arith.constant 0 : i32
      %dma_wait3A_146 = tpu.memref_slice %arg3[%add3A, %dma_wait3A_138, %dma_wait3A_144, %dma_wait3A_145] : memref<32x82x2x128xi32, #tpu.memory_space<hbm>> -> memref<1x1x2x128xi32, #tpu.memory_space<hbm>>
      %dma_wait3A_147 = tpu.memref_squeeze %dma_wait3A_146 : memref<1x1x2x128xi32, #tpu.memory_space<hbm>> -> memref<2x128xi32, #tpu.memory_space<hbm>>
      %dma_wait3A_148 = arith.constant 0 : i32
      %dma_wait3A_149 = arith.constant 0 : i32
      %dma_wait3A_150 = tpu.memref_slice %arg6[%dma_wait3A_139, %dma_wait3A_148, %dma_wait3A_149] : memref<2x2x128xi32, #tpu.memory_space<vmem>> -> memref<1x2x128xi32, #tpu.memory_space<vmem>>
      %dma_wait3A_151 = tpu.memref_squeeze %dma_wait3A_150 : memref<1x2x128xi32, #tpu.memory_space<vmem>> -> memref<2x128xi32, #tpu.memory_space<vmem>>
      %dma_wait3A_152 = arith.constant 0 : i32
      %dma_wait3A_153 = arith.constant 0 : i32
      %dma_wait3A_154 = tpu.memref_slice %arg3[%add3A, %dma_wait3A_138, %dma_wait3A_152, %dma_wait3A_153] : memref<32x82x2x128xi32, #tpu.memory_space<hbm>> -> memref<1x1x2x128xi32, #tpu.memory_space<hbm>>
      %dma_wait3A_155 = tpu.memref_squeeze %dma_wait3A_154 : memref<1x1x2x128xi32, #tpu.memory_space<hbm>> -> memref<2x128xi32, #tpu.memory_space<hbm>>
      tpu.wait_dma2 semaphore(%arg9 : memref<!tpu.dma_semaphore, #tpu.memory_space<semaphore_mem>>) src(%dma_wait3A_155 : memref<2x128xi32, #tpu.memory_space<hbm>>) dst(%dma_wait3A_151 : memref<2x128xi32, #tpu.memory_space<vmem>>)
      %dma_start3A_156 = arith.constant 0 : i32
      %dma_start3A_157 = arith.constant 0 : i32
      %dma_start3A_158 = arith.constant 0 : i32
      %dma_start3A_159 = tpu.memref_slice %arg6[%dma_start3A_156, %dma_start3A_157, %dma_start3A_158] : memref<2x2x128xi32, #tpu.memory_space<vmem>> -> memref<1x1x128xi32, #tpu.memory_space<vmem>>
      %dma_start3A_160 = tpu.memref_squeeze %dma_start3A_159 : memref<1x1x128xi32, #tpu.memory_space<vmem>> -> memref<128xi32, #tpu.memory_space<vmem>>
      %dma_start3A_161 = arith.constant 0 : i32
      %dma_start3A_162 = arith.constant 0 : i32
      %dma_start3A_163 = tpu.memref_slice %arg2[%dma_start3A_161, %dma_start3A_162] : memref<10240x128xf32, #tpu.memory_space<hbm>> -> memref<10240x128xf32, #tpu.memory_space<hbm>>
      tpu.enqueue_indirect_dma source(%dma_start3A_163 : memref<10240x128xf32, #tpu.memory_space<hbm>>) target(%arg7 : memref<128x128xf32, #tpu.memory_space<vmem>>) offsets(%dma_start3A_160 : memref<128xi32, #tpu.memory_space<vmem>>) semaphore(%arg11 : memref<!tpu.dma_semaphore, #tpu.memory_space<semaphore_mem>>)
      %add3A_164 = arith.constant 1 : i32
      %add3A_165 = arith.addi %mul3A_109, %add3A_164 : i32
      %dma_wait3A_166 = arith.constant 0 : i32
      %dma_wait3A_167 = arith.constant 0 : i32
      %dma_wait3A_168 = tpu.memref_slice %arg2[%dma_wait3A_166, %dma_wait3A_167] : memref<10240x128xf32, #tpu.memory_space<hbm>> -> memref<128x128xf32, #tpu.memory_space<hbm>>
      %dma_wait3A_169 = arith.constant 0 : i32
      %dma_wait3A_170 = arith.constant 0 : i32
      %dma_wait3A_171 = tpu.memref_slice %arg2[%dma_wait3A_169, %dma_wait3A_170] : memref<10240x128xf32, #tpu.memory_space<hbm>> -> memref<128x128xf32, #tpu.memory_space<hbm>>
      tpu.wait_dma2 semaphore(%arg12 : memref<!tpu.dma_semaphore, #tpu.memory_space<semaphore_mem>>) src(%dma_wait3A_171 : memref<128x128xf32, #tpu.memory_space<hbm>>) dst(%arg8 : memref<128x128xf32, #tpu.memory_space<vmem>>)
      %add3A_172 = arith.constant 2 : i32
      %add3A_173 = arith.addi %add3A_165, %add3A_172 : i32
      %dma_start3A_174 = arith.constant 1 : i32
      %dma_start3A_175 = arith.constant 0 : i32
      %dma_start3A_176 = arith.constant 0 : i32
      %dma_start3A_177 = tpu.memref_slice %arg6[%dma_start3A_174, %dma_start3A_175, %dma_start3A_176] : memref<2x2x128xi32, #tpu.memory_space<vmem>> -> memref<1x2x128xi32, #tpu.memory_space<vmem>>
      %dma_start3A_178 = tpu.memref_squeeze %dma_start3A_177 : memref<1x2x128xi32, #tpu.memory_space<vmem>> -> memref<2x128xi32, #tpu.memory_space<vmem>>
      %dma_start3A_179 = arith.constant 0 : i32
      %dma_start3A_180 = arith.constant 0 : i32
      %dma_start3A_181 = tpu.memref_slice %arg3[%add3A, %add3A_173, %dma_start3A_179, %dma_start3A_180] : memref<32x82x2x128xi32, #tpu.memory_space<hbm>> -> memref<1x1x2x128xi32, #tpu.memory_space<hbm>>
      %dma_start3A_182 = tpu.memref_squeeze %dma_start3A_181 : memref<1x1x2x128xi32, #tpu.memory_space<hbm>> -> memref<2x128xi32, #tpu.memory_space<hbm>>
      %dma_start3A_183 = arith.constant 0 : i32
      %dma_start3A_184 = arith.constant 0 : i32
      %dma_start3A_185 = tpu.memref_slice %arg6[%dma_start3A_174, %dma_start3A_183, %dma_start3A_184] : memref<2x2x128xi32, #tpu.memory_space<vmem>> -> memref<1x2x128xi32, #tpu.memory_space<vmem>>
      %dma_start3A_186 = tpu.memref_squeeze %dma_start3A_185 : memref<1x2x128xi32, #tpu.memory_space<vmem>> -> memref<2x128xi32, #tpu.memory_space<vmem>>
      %dma_start3A_187 = arith.constant 0 : i32
      %dma_start3A_188 = arith.constant 0 : i32
      %dma_start3A_189 = tpu.memref_slice %arg3[%add3A, %add3A_173, %dma_start3A_187, %dma_start3A_188] : memref<32x82x2x128xi32, #tpu.memory_space<hbm>> -> memref<1x1x2x128xi32, #tpu.memory_space<hbm>>
      %dma_start3A_190 = tpu.memref_squeeze %dma_start3A_189 : memref<1x1x2x128xi32, #tpu.memory_space<hbm>> -> memref<2x128xi32, #tpu.memory_space<hbm>>
      tpu.enqueue_dma source(%dma_start3A_190 : memref<2x128xi32, #tpu.memory_space<hbm>>) target(%dma_start3A_186 : memref<2x128xi32, #tpu.memory_space<vmem>>) target_semaphore(%arg10 : memref<!tpu.dma_semaphore, #tpu.memory_space<semaphore_mem>>)
      %run_scoped3A_191 = arith.constant 1 : i32
      %run_scoped3A_192 = arith.constant 1 : i32
      "tpu.region"() ({
        %run_scoped3A_219 = tpu.sem_alloc : memref<!tpu.dma_semaphore, #tpu.memory_space<semaphore_mem>>
        %dma_start3A_220 = arith.constant 0 : i32
        %dma_start3A_221 = tpu.memref_slice %arg6[%run_scoped3A_191, %run_scoped3A_192, %dma_start3A_220] : memref<2x2x128xi32, #tpu.memory_space<vmem>> -> memref<1x1x128xi32, #tpu.memory_space<vmem>>
        %dma_start3A_222 = tpu.memref_squeeze %dma_start3A_221 : memref<1x1x128xi32, #tpu.memory_space<vmem>> -> memref<128xi32, #tpu.memory_space<vmem>>
        %dma_start3A_223 = arith.constant 0 : i32
        %dma_start3A_224 = arith.constant 0 : i32
        %dma_start3A_225 = tpu.memref_slice %arg13[%dma_start3A_223, %dma_start3A_224] : memref<10240x128xf32, #tpu.memory_space<vmem_shared>> -> memref<10240x128xf32, #tpu.memory_space<vmem_shared>>
        tpu.enqueue_indirect_dma source(%arg8 : memref<128x128xf32, #tpu.memory_space<vmem>>) target(%dma_start3A_225 : memref<10240x128xf32, #tpu.memory_space<vmem_shared>>) offsets(%dma_start3A_222 : memref<128xi32, #tpu.memory_space<vmem>>) semaphore(%run_scoped3A_219 : memref<!tpu.dma_semaphore, #tpu.memory_space<semaphore_mem>>) {add = true}
        %dma_wait3A_226 = arith.constant 0 : i32
        %dma_wait3A_227 = tpu.memref_slice %arg6[%run_scoped3A_191, %run_scoped3A_192, %dma_wait3A_226] : memref<2x2x128xi32, #tpu.memory_space<vmem>> -> memref<1x1x128xi32, #tpu.memory_space<vmem>>
        %dma_wait3A_228 = tpu.memref_squeeze %dma_wait3A_227 : memref<1x1x128xi32, #tpu.memory_space<vmem>> -> memref<128xi32, #tpu.memory_space<vmem>>
        %dma_wait3A_229 = arith.constant 0 : i32
        %dma_wait3A_230 = arith.constant 0 : i32
        %dma_wait3A_231 = tpu.memref_slice %arg13[%dma_wait3A_229, %dma_wait3A_230] : memref<10240x128xf32, #tpu.memory_space<vmem_shared>> -> memref<10240x128xf32, #tpu.memory_space<vmem_shared>>
        tpu.wait_indirect_dma semaphore(%run_scoped3A_219 : memref<!tpu.dma_semaphore, #tpu.memory_space<semaphore_mem>>) src(%arg8 : memref<128x128xf32, #tpu.memory_space<vmem>>) dst(%dma_wait3A_231 : memref<10240x128xf32, #tpu.memory_space<vmem_shared>>)
        tpu.yield
      }) : () -> ()
      %dma_wait3A_193 = arith.constant 0 : i32
      %dma_wait3A_194 = arith.constant 1 : i32
      %dma_wait3A_195 = arith.constant 0 : i32
      %dma_wait3A_196 = arith.constant 0 : i32
      %dma_wait3A_197 = tpu.memref_slice %arg6[%dma_wait3A_194, %dma_wait3A_195, %dma_wait3A_196] : memref<2x2x128xi32, #tpu.memory_space<vmem>> -> memref<1x2x128xi32, #tpu.memory_space<vmem>>
      %dma_wait3A_198 = tpu.memref_squeeze %dma_wait3A_197 : memref<1x2x128xi32, #tpu.memory_space<vmem>> -> memref<2x128xi32, #tpu.memory_space<vmem>>
      %dma_wait3A_199 = arith.constant 0 : i32
      %dma_wait3A_200 = arith.constant 0 : i32
      %dma_wait3A_201 = tpu.memref_slice %arg3[%add3A, %dma_wait3A_193, %dma_wait3A_199, %dma_wait3A_200] : memref<32x82x2x128xi32, #tpu.memory_space<hbm>> -> memref<1x1x2x128xi32, #tpu.memory_space<hbm>>
      %dma_wait3A_202 = tpu.memref_squeeze %dma_wait3A_201 : memref<1x1x2x128xi32, #tpu.memory_space<hbm>> -> memref<2x128xi32, #tpu.memory_space<hbm>>
      %dma_wait3A_203 = arith.constant 0 : i32
      %dma_wait3A_204 = arith.constant 0 : i32
      %dma_wait3A_205 = tpu.memref_slice %arg6[%dma_wait3A_194, %dma_wait3A_203, %dma_wait3A_204] : memref<2x2x128xi32, #tpu.memory_space<vmem>> -> memref<1x2x128xi32, #tpu.memory_space<vmem>>
      %dma_wait3A_206 = tpu.memref_squeeze %dma_wait3A_205 : memref<1x2x128xi32, #tpu.memory_space<vmem>> -> memref<2x128xi32, #tpu.memory_space<vmem>>
      %dma_wait3A_207 = arith.constant 0 : i32
      %dma_wait3A_208 = arith.constant 0 : i32
      %dma_wait3A_209 = tpu.memref_slice %arg3[%add3A, %dma_wait3A_193, %dma_wait3A_207, %dma_wait3A_208] : memref<32x82x2x128xi32, #tpu.memory_space<hbm>> -> memref<1x1x2x128xi32, #tpu.memory_space<hbm>>
      %dma_wait3A_210 = tpu.memref_squeeze %dma_wait3A_209 : memref<1x1x2x128xi32, #tpu.memory_space<hbm>> -> memref<2x128xi32, #tpu.memory_space<hbm>>
      tpu.wait_dma2 semaphore(%arg10 : memref<!tpu.dma_semaphore, #tpu.memory_space<semaphore_mem>>) src(%dma_wait3A_210 : memref<2x128xi32, #tpu.memory_space<hbm>>) dst(%dma_wait3A_206 : memref<2x128xi32, #tpu.memory_space<vmem>>)
      %dma_start3A_211 = arith.constant 1 : i32
      %dma_start3A_212 = arith.constant 0 : i32
      %dma_start3A_213 = arith.constant 0 : i32
      %dma_start3A_214 = tpu.memref_slice %arg6[%dma_start3A_211, %dma_start3A_212, %dma_start3A_213] : memref<2x2x128xi32, #tpu.memory_space<vmem>> -> memref<1x1x128xi32, #tpu.memory_space<vmem>>
      %dma_start3A_215 = tpu.memref_squeeze %dma_start3A_214 : memref<1x1x128xi32, #tpu.memory_space<vmem>> -> memref<128xi32, #tpu.memory_space<vmem>>
      %dma_start3A_216 = arith.constant 0 : i32
      %dma_start3A_217 = arith.constant 0 : i32
      %dma_start3A_218 = tpu.memref_slice %arg2[%dma_start3A_216, %dma_start3A_217] : memref<10240x128xf32, #tpu.memory_space<hbm>> -> memref<10240x128xf32, #tpu.memory_space<hbm>>
      tpu.enqueue_indirect_dma source(%dma_start3A_218 : memref<10240x128xf32, #tpu.memory_space<hbm>>) target(%arg8 : memref<128x128xf32, #tpu.memory_space<vmem>>) offsets(%dma_start3A_215 : memref<128xi32, #tpu.memory_space<vmem>>) semaphore(%arg12 : memref<!tpu.dma_semaphore, #tpu.memory_space<semaphore_mem>>)
    }
    %scan3A_93 = arith.constant 40 : i32
    %dma_wait3A_94 = arith.constant 0 : i32
    %dma_wait3A_95 = arith.constant 0 : i32
    %dma_wait3A_96 = tpu.memref_slice %arg2[%dma_wait3A_94, %dma_wait3A_95] : memref<10240x128xf32, #tpu.memory_space<hbm>> -> memref<128x128xf32, #tpu.memory_space<hbm>>
    %dma_wait3A_97 = arith.constant 0 : i32
    %dma_wait3A_98 = arith.constant 0 : i32
    %dma_wait3A_99 = tpu.memref_slice %arg2[%dma_wait3A_97, %dma_wait3A_98] : memref<10240x128xf32, #tpu.memory_space<hbm>> -> memref<128x128xf32, #tpu.memory_space<hbm>>
    tpu.wait_dma2 semaphore(%arg11 : memref<!tpu.dma_semaphore, #tpu.memory_space<semaphore_mem>>) src(%dma_wait3A_99 : memref<128x128xf32, #tpu.memory_space<hbm>>) dst(%arg7 : memref<128x128xf32, #tpu.memory_space<vmem>>)
    %dma_wait3A_100 = arith.constant 0 : i32
    %dma_wait3A_101 = arith.constant 0 : i32
    %dma_wait3A_102 = tpu.memref_slice %arg2[%dma_wait3A_100, %dma_wait3A_101] : memref<10240x128xf32, #tpu.memory_space<hbm>> -> memref<128x128xf32, #tpu.memory_space<hbm>>
    %dma_wait3A_103 = arith.constant 0 : i32
    %dma_wait3A_104 = arith.constant 0 : i32
    %dma_wait3A_105 = tpu.memref_slice %arg2[%dma_wait3A_103, %dma_wait3A_104] : memref<10240x128xf32, #tpu.memory_space<hbm>> -> memref<128x128xf32, #tpu.memory_space<hbm>>
    tpu.wait_dma2 semaphore(%arg12 : memref<!tpu.dma_semaphore, #tpu.memory_space<semaphore_mem>>) src(%dma_wait3A_105 : memref<128x128xf32, #tpu.memory_space<hbm>>) dst(%arg8 : memref<128x128xf32, #tpu.memory_space<vmem>>)
    %barrier3A_106 = arith.constant 0 : index
    tpu.barrier barrier_id(%barrier3A_106)
    "tpu.region"() ({
      %run_scoped3A = tpu.sem_alloc : memref<!tpu.dma_semaphore, #tpu.memory_space<semaphore_mem>>
      %dma_start3A_107 = arith.constant 0 : i32
      %dma_start3A_108 = tpu.memref_slice %arg5[%arg0, %mul3A_2, %dma_start3A_107] : memref<2x10240x128xf32, #tpu.memory_space<hbm>> -> memref<1x640x128xf32, #tpu.memory_space<hbm>>
      %dma_start3A_109 = tpu.memref_squeeze %dma_start3A_108 : memref<1x640x128xf32, #tpu.memory_space<hbm>> -> memref<640x128xf32, #tpu.memory_space<hbm>>
      %dma_start3A_110 = arith.constant 0 : i32
      %dma_start3A_111 = tpu.memref_slice %arg13[%mul3A_2, %dma_start3A_110] : memref<10240x128xf32, #tpu.memory_space<vmem_shared>> -> memref<640x128xf32, #tpu.memory_space<vmem_shared>>
      tpu.enqueue_dma source(%dma_start3A_111 : memref<640x128xf32, #tpu.memory_space<vmem_shared>>) target(%dma_start3A_109 : memref<640x128xf32, #tpu.memory_space<hbm>>) target_semaphore(%run_scoped3A : memref<!tpu.dma_semaphore, #tpu.memory_space<semaphore_mem>>)
      %dma_wait3A_112 = arith.constant 0 : i32
      %dma_wait3A_113 = tpu.memref_slice %arg5[%arg0, %mul3A_2, %dma_wait3A_112] : memref<2x10240x128xf32, #tpu.memory_space<hbm>> -> memref<1x640x128xf32, #tpu.memory_space<hbm>>
      %dma_wait3A_114 = tpu.memref_squeeze %dma_wait3A_113 : memref<1x640x128xf32, #tpu.memory_space<hbm>> -> memref<640x128xf32, #tpu.memory_space<hbm>>
      %dma_wait3A_115 = arith.constant 0 : i32
      %dma_wait3A_116 = tpu.memref_slice %arg13[%mul3A_2, %dma_wait3A_115] : memref<10240x128xf32, #tpu.memory_space<vmem_shared>> -> memref<640x128xf32, #tpu.memory_space<vmem_shared>>
      tpu.wait_dma2 semaphore(%run_scoped3A : memref<!tpu.dma_semaphore, #tpu.memory_space<semaphore_mem>>) src(%dma_wait3A_116 : memref<640x128xf32, #tpu.memory_space<vmem_shared>>) dst(%dma_wait3A_114 : memref<640x128xf32, #tpu.memory_space<hbm>>)
      tpu.yield
    }) : () -> ()
    return
  }
}

module attributes {stable_mosaic.version = 14 : i64} {
  func.func @_pre_body(%arg0: i32, %arg1: memref<1024x128xf32, #tpu.memory_space<vmem>>, %arg2: memref<128x128xf32, #tpu.memory_space<vmem>>, %arg3: memref<32x1024xf32, #tpu.memory_space<vmem>>, %arg4: memref<1024x128xf32, #tpu.memory_space<vmem>>, %arg5: memref<1024x128xf32, #tpu.memory_space<vmem>>) attributes {dimension_semantics = [#tpu.dimension_semantics<arbitrary>], iteration_bounds = array<i64: 10>, scalar_prefetch = 0 : i64, scratch_operands = 0 : i64, tpu.core_type = #tpu.core_type<tc>, window_params = [{transform_indices = @transform_0, window_bounds = array<i64: 1024, 128>}, {pipeline_mode = #tpu.pipeline_mode<synchronous>, transform_indices = @transform_1, window_bounds = array<i64: 128, 128>}, {transform_indices = @transform_2, window_bounds = array<i64: 32, 1024>}, {transform_indices = @transform_3, window_bounds = array<i64: 1024, 128>}, {transform_indices = @transform_4, window_bounds = array<i64: 1024, 128>}]} {
    %get3A = arith.constant 0 : index
    %get3A_0 = arith.constant 0 : index
    %get3A_1 = vector.load %arg1[%get3A, %get3A_0] : memref<1024x128xf32, #tpu.memory_space<vmem>>, vector<1024x128xf32>
    %get3A_2 = arith.constant 0 : index
    %get3A_3 = arith.constant 0 : index
    %get3A_4 = vector.load %arg2[%get3A_2, %get3A_3] : memref<128x128xf32, #tpu.memory_space<vmem>>, vector<128x128xf32>
    %dot_general3A = arith.constant dense<0.000000e+00> : vector<1024x128xf32>
    %dot_general3A_5 = tpu.matmul %get3A_1, %get3A_4, %dot_general3A {dimension_numbers = #tpu.dot_dimension_numbers<[1], [0], [0], [1], [0, 0, 1, 1], [], []>, transpose_lhs_hint = false} : vector<1024x128xf32>, vector<128x128xf32>, vector<1024x128xf32> -> vector<1024x128xf32>
    %get3A_6 = arith.constant 0 : index
    %get3A_7 = arith.constant 0 : index
    %get3A_8 = vector.load %arg3[%get3A_6, %get3A_7] : memref<32x1024xf32, #tpu.memory_space<vmem>>, vector<32x1024xf32>
    %reduce_sum3A = arith.constant dense<0.000000e+00> : vector<1024xf32>
    %reduce_sum3A_9 = vector.multi_reduction <add>, %get3A_8, %reduce_sum3A [0] : vector<32x1024xf32> to vector<1024xf32>
    %add3A = arith.constant 1.000000e+00 : f32
    %add3A_10 = vector.broadcast %add3A : f32 to vector<1024xf32>
    %add3A_11 = arith.addf %reduce_sum3A_9, %add3A_10 : vector<1024xf32>
    %rsqrt3A = math.rsqrt %add3A_11 : vector<1024xf32>
    %reshape3A = vector.shape_cast %rsqrt3A : vector<1024xf32> to vector<1x1024xf32>
    %transpose3A = tpu.transpose %reshape3A, [1, 0] : vector<1x1024xf32> -> vector<1024x1xf32>
    %broadcast_in_dim3A = vector.shape_cast %transpose3A : vector<1024x1xf32> to vector<1024x1xf32>
    %broadcast_in_dim3A_12 = vector.broadcast %broadcast_in_dim3A : vector<1024x1xf32> to vector<1024x128xf32>
    %swap3A = arith.constant 0 : index
    %swap3A_13 = arith.constant 0 : index
    %swap3A_14 = vector.load %arg5[%swap3A, %swap3A_13] : memref<1024x128xf32, #tpu.memory_space<vmem>>, vector<1024x128xf32>
    tpu.vector_store %arg5[%swap3A, %swap3A_13], %broadcast_in_dim3A_12 {strides = array<i32>} : memref<1024x128xf32, #tpu.memory_space<vmem>>, vector<1024x128xf32>,
    %mul3A = arith.constant 1024 : i32
    %mul3A_15 = arith.muli %arg0, %mul3A : i32
    %iota3A = tpu.iota {dimensions = array<i32: 0>} : vector<1024x1xi32>
    %add3A_16 = vector.broadcast %mul3A_15 : i32 to vector<1024x1xi32>
    %add3A_17 = arith.addi %add3A_16, %iota3A : vector<1024x1xi32>
    %lt3A = arith.constant 10000 : i32
    %lt3A_18 = vector.broadcast %lt3A : i32 to vector<1024x1xi32>
    %lt3A_19 = arith.cmpi slt, %add3A_17, %lt3A_18 : vector<1024x1xi32>
    %mul3A_20 = vector.broadcast %transpose3A : vector<1024x1xf32> to vector<1024x128xf32>
    %mul3A_21 = arith.mulf %dot_general3A_5, %mul3A_20 : vector<1024x128xf32>
    %jit3A = arith.constant 0.000000e+00 : f32
    %broadcast_in_dim3A_22 = vector.shape_cast %lt3A_19 : vector<1024x1xi1> to vector<1024x1xi1>
    %broadcast_in_dim3A_23 = vector.broadcast %broadcast_in_dim3A_22 : vector<1024x1xi1> to vector<1024x128xi1>
    %broadcast_in_dim3A_24 = vector.broadcast %jit3A : f32 to vector<1024x128xf32>
    %select_n3A = arith.select %broadcast_in_dim3A_23, %mul3A_21, %broadcast_in_dim3A_24 : vector<1024x128xi1>, vector<1024x128xf32>
    %swap3A_25 = arith.constant 0 : index
    %swap3A_26 = arith.constant 0 : index
    %swap3A_27 = vector.load %arg4[%swap3A_25, %swap3A_26] : memref<1024x128xf32, #tpu.memory_space<vmem>>, vector<1024x128xf32>
    tpu.vector_store %arg4[%swap3A_25, %swap3A_26], %select_n3A {strides = array<i32>} : memref<1024x128xf32, #tpu.memory_space<vmem>>, vector<1024x128xf32>,
    return
  }
  func.func @transform_0(%arg0: i32) -> (i32, i32) {
    %c0_i32 = arith.constant 0 : i32
    %c0_i32_0 = arith.constant 0 : i32
    return %arg0, %c0_i32 : i32, i32
  }
  func.func @transform_1(%arg0: i32) -> (i32, i32) {
    %c0_i32 = arith.constant 0 : i32
    %c0_i32_0 = arith.constant 0 : i32
    %c0_i32_1 = arith.constant 0 : i32
    return %c0_i32, %c0_i32_0 : i32, i32
  }
  func.func @transform_2(%arg0: i32) -> (i32, i32) {
    %c0_i32 = arith.constant 0 : i32
    %c0_i32_0 = arith.constant 0 : i32
    return %c0_i32, %arg0 : i32, i32
  }
  func.func @transform_3(%arg0: i32) -> (i32, i32) {
    %c0_i32 = arith.constant 0 : i32
    %c0_i32_0 = arith.constant 0 : i32
    return %arg0, %c0_i32 : i32, i32
  }
  func.func @transform_4(%arg0: i32) -> (i32, i32) {
    %c0_i32 = arith.constant 0 : i32
    %c0_i32_0 = arith.constant 0 : i32
    return %arg0, %c0_i32 : i32, i32
  }
}

module attributes {stable_mosaic.version = 14 : i64} {
  func.func @_mid_body(%arg0: i32, %arg1: memref<2x1024x128xf32, #tpu.memory_space<vmem>>, %arg2: memref<1024x128xf32, #tpu.memory_space<vmem>>, %arg3: memref<1024x128xf32, #tpu.memory_space<vmem>>, %arg4: memref<128x128xf32, #tpu.memory_space<vmem>>, %arg5: memref<1x128xf32, #tpu.memory_space<vmem>>, %arg6: memref<1024x128xf32, #tpu.memory_space<vmem>>) attributes {dimension_semantics = [#tpu.dimension_semantics<arbitrary>], iteration_bounds = array<i64: 10>, scalar_prefetch = 0 : i64, scratch_operands = 0 : i64, tpu.core_type = #tpu.core_type<tc>, window_params = [{transform_indices = @transform_0, window_bounds = array<i64: 2, 1024, 128>}, {transform_indices = @transform_1, window_bounds = array<i64: 1024, 128>}, {transform_indices = @transform_2, window_bounds = array<i64: 1024, 128>}, {pipeline_mode = #tpu.pipeline_mode<synchronous>, transform_indices = @transform_3, window_bounds = array<i64: 128, 128>}, {pipeline_mode = #tpu.pipeline_mode<synchronous>, transform_indices = @transform_4, window_bounds = array<i64: 1, 128>}, {transform_indices = @transform_5, window_bounds = array<i64: 1024, 128>}]} {
    %get3A = arith.constant 0 : index
    %get3A_0 = arith.constant 0 : index
    %get3A_1 = vector.load %arg3[%get3A, %get3A_0] : memref<1024x128xf32, #tpu.memory_space<vmem>>, vector<1024x128xf32>
    %get3A_2 = arith.constant 0 : index
    %get3A_3 = arith.constant 0 : index
    %get3A_4 = arith.constant 0 : index
    %get3A_5 = vector.load %arg1[%get3A_2, %get3A_3, %get3A_4] : memref<2x1024x128xf32, #tpu.memory_space<vmem>>, vector<1x1024x128xf32>
    %get3A_6 = vector.shape_cast %get3A_5 : vector<1x1024x128xf32> to vector<1024x128xf32>
    %get3A_7 = arith.constant 1 : index
    %get3A_8 = arith.constant 0 : index
    %get3A_9 = arith.constant 0 : index
    %get3A_10 = vector.load %arg1[%get3A_7, %get3A_8, %get3A_9] : memref<2x1024x128xf32, #tpu.memory_space<vmem>>, vector<1x1024x128xf32>
    %get3A_11 = vector.shape_cast %get3A_10 : vector<1x1024x128xf32> to vector<1024x128xf32>
    %add3A = arith.addf %get3A_6, %get3A_11 : vector<1024x128xf32>
    %get3A_12 = arith.constant 0 : index
    %get3A_13 = arith.constant 0 : index
    %get3A_14 = vector.load %arg2[%get3A_12, %get3A_13] : memref<1024x128xf32, #tpu.memory_space<vmem>>, vector<1024x128xf32>
    %add3A_15 = arith.addf %add3A, %get3A_14 : vector<1024x128xf32>
    %mul3A = arith.mulf %add3A_15, %get3A_1 : vector<1024x128xf32>
    %get3A_16 = arith.constant 0 : index
    %get3A_17 = arith.constant 0 : index
    %get3A_18 = vector.load %arg5[%get3A_16, %get3A_17] : memref<1x128xf32, #tpu.memory_space<vmem>>, vector<1x128xf32>
    %add3A_19 = vector.broadcast %get3A_18 : vector<1x128xf32> to vector<1024x128xf32>
    %add3A_20 = arith.addf %mul3A, %add3A_19 : vector<1024x128xf32>
    %max3A = arith.constant 0.000000e+00 : f32
    %max3A_21 = vector.broadcast %max3A : f32 to vector<1024x128xf32>
    %max3A_22 = arith.maximumf %add3A_20, %max3A_21 : vector<1024x128xf32>
    %get3A_23 = arith.constant 0 : index
    %get3A_24 = arith.constant 0 : index
    %get3A_25 = vector.load %arg4[%get3A_23, %get3A_24] : memref<128x128xf32, #tpu.memory_space<vmem>>, vector<128x128xf32>
    %dot_general3A = arith.constant dense<0.000000e+00> : vector<1024x128xf32>
    %dot_general3A_26 = tpu.matmul %max3A_22, %get3A_25, %dot_general3A {dimension_numbers = #tpu.dot_dimension_numbers<[1], [0], [0], [1], [0, 0, 1, 1], [], []>, transpose_lhs_hint = false} : vector<1024x128xf32>, vector<128x128xf32>, vector<1024x128xf32> -> vector<1024x128xf32>
    %mul3A_27 = arith.mulf %dot_general3A_26, %get3A_1 : vector<1024x128xf32>
    %mul3A_28 = arith.constant 1024 : i32
    %mul3A_29 = arith.muli %arg0, %mul3A_28 : i32
    %iota3A = tpu.iota {dimensions = array<i32: 0>} : vector<1024x1xi32>
    %add3A_30 = vector.broadcast %mul3A_29 : i32 to vector<1024x1xi32>
    %add3A_31 = arith.addi %add3A_30, %iota3A : vector<1024x1xi32>
    %lt3A = arith.constant 10000 : i32
    %lt3A_32 = vector.broadcast %lt3A : i32 to vector<1024x1xi32>
    %lt3A_33 = arith.cmpi slt, %add3A_31, %lt3A_32 : vector<1024x1xi32>
    %jit3A = arith.constant 0.000000e+00 : f32
    %broadcast_in_dim3A = vector.shape_cast %lt3A_33 : vector<1024x1xi1> to vector<1024x1xi1>
    %broadcast_in_dim3A_34 = vector.broadcast %broadcast_in_dim3A : vector<1024x1xi1> to vector<1024x128xi1>
    %broadcast_in_dim3A_35 = vector.broadcast %jit3A : f32 to vector<1024x128xf32>
    %select_n3A = arith.select %broadcast_in_dim3A_34, %mul3A_27, %broadcast_in_dim3A_35 : vector<1024x128xi1>, vector<1024x128xf32>
    %swap3A = arith.constant 0 : index
    %swap3A_36 = arith.constant 0 : index
    %swap3A_37 = vector.load %arg6[%swap3A, %swap3A_36] : memref<1024x128xf32, #tpu.memory_space<vmem>>, vector<1024x128xf32>
    tpu.vector_store %arg6[%swap3A, %swap3A_36], %select_n3A {strides = array<i32>} : memref<1024x128xf32, #tpu.memory_space<vmem>>, vector<1024x128xf32>,
    return
  }
  func.func @transform_0(%arg0: i32) -> (i32, i32, i32) {
    %c0_i32 = arith.constant 0 : i32
    %c0_i32_0 = arith.constant 0 : i32
    %c0_i32_1 = arith.constant 0 : i32
    return %c0_i32, %arg0, %c0_i32_0 : i32, i32, i32
  }
  func.func @transform_1(%arg0: i32) -> (i32, i32) {
    %c0_i32 = arith.constant 0 : i32
    %c0_i32_0 = arith.constant 0 : i32
    return %arg0, %c0_i32 : i32, i32
  }
  func.func @transform_2(%arg0: i32) -> (i32, i32) {
    %c0_i32 = arith.constant 0 : i32
    %c0_i32_0 = arith.constant 0 : i32
    return %arg0, %c0_i32 : i32, i32
  }
  func.func @transform_3(%arg0: i32) -> (i32, i32) {
    %c0_i32 = arith.constant 0 : i32
    %c0_i32_0 = arith.constant 0 : i32
    %c0_i32_1 = arith.constant 0 : i32
    return %c0_i32, %c0_i32_0 : i32, i32
  }
  func.func @transform_4(%arg0: i32) -> (i32, i32) {
    %c0_i32 = arith.constant 0 : i32
    %c0_i32_0 = arith.constant 0 : i32
    %c0_i32_1 = arith.constant 0 : i32
    return %c0_i32, %c0_i32_0 : i32, i32
  }
  func.func @transform_5(%arg0: i32) -> (i32, i32) {
    %c0_i32 = arith.constant 0 : i32
    %c0_i32_0 = arith.constant 0 : i32
    return %arg0, %c0_i32 : i32, i32
  }
}

module attributes {stable_mosaic.version = 14 : i64} {
  func.func @_post_body(%arg0: i32, %arg1: memref<2x1024x128xf32, #tpu.memory_space<vmem>>, %arg2: memref<1024x128xf32, #tpu.memory_space<vmem>>, %arg3: memref<1024x128xf32, #tpu.memory_space<vmem>>, %arg4: memref<1x128xf32, #tpu.memory_space<vmem>>, %arg5: memref<1x1x1024xi32, #tpu.memory_space<vmem>>, %arg6: memref<1x128xf32, #tpu.memory_space<vmem>>, %arg7: memref<1x1xf32, #tpu.memory_space<vmem>>, %arg8: memref<64x1xf32, #tpu.memory_space<vmem>>, %arg9: memref<64x128xf32, #tpu.memory_space<vmem>>, %arg10: memref<64x1xf32, #tpu.memory_space<vmem>>) attributes {dimension_semantics = [#tpu.dimension_semantics<arbitrary>], iteration_bounds = array<i64: 10>, scalar_prefetch = 0 : i64, scratch_operands = 2 : i64, tpu.core_type = #tpu.core_type<tc>, window_params = [{transform_indices = @transform_0, window_bounds = array<i64: 2, 1024, 128>}, {transform_indices = @transform_1, window_bounds = array<i64: 1024, 128>}, {transform_indices = @transform_2, window_bounds = array<i64: 1024, 128>}, {pipeline_mode = #tpu.pipeline_mode<synchronous>, transform_indices = @transform_3, window_bounds = array<i64: 1, 128>}, {transform_indices = @transform_4, window_bounds = array<i64: 1, 1, 1024>}, {pipeline_mode = #tpu.pipeline_mode<synchronous>, transform_indices = @transform_5, window_bounds = array<i64: 1, 128>}, {pipeline_mode = #tpu.pipeline_mode<synchronous>, transform_indices = @transform_6, window_bounds = array<i64: 1, 1>}, {pipeline_mode = #tpu.pipeline_mode<synchronous>, transform_indices = @transform_7, window_bounds = array<i64: 64, 1>}]} {
    %eq3A = arith.constant 0 : i32
    %eq3A_0 = arith.cmpi eq, %arg0, %eq3A : i32
    %convert_element_type3A = arith.extui %eq3A_0 : i1 to i32
    %cond3A = arith.constant 0 : i32
    %cond3A_1 = arith.cmpi ne, %convert_element_type3A, %cond3A : i32
    scf.if %cond3A_1 {
      %broadcast_in_dim3A_55 = arith.constant 0.000000e+00 : f32
      %broadcast_in_dim3A_56 = vector.broadcast %broadcast_in_dim3A_55 : f32 to vector<64x128xf32>
      %swap3A_57 = arith.constant 0 : index
      %swap3A_58 = arith.constant 0 : index
      %swap3A_59 = vector.load %arg9[%swap3A_57, %swap3A_58] : memref<64x128xf32, #tpu.memory_space<vmem>>, vector<64x128xf32>
      tpu.vector_store %arg9[%swap3A_57, %swap3A_58], %broadcast_in_dim3A_56 {strides = array<i32>} : memref<64x128xf32, #tpu.memory_space<vmem>>, vector<64x128xf32>,
      %broadcast_in_dim3A_60 = arith.constant 0.000000e+00 : f32
      %broadcast_in_dim3A_61 = vector.broadcast %broadcast_in_dim3A_60 : f32 to vector<64x1xf32>
      %swap3A_62 = arith.constant 0 : index
      %swap3A_63 = arith.constant 0 : index
      %swap3A_64 = vector.load %arg10[%swap3A_62, %swap3A_63] : memref<64x1xf32, #tpu.memory_space<vmem>>, vector<64x1xf32>
      tpu.vector_store %arg10[%swap3A_62, %swap3A_63], %broadcast_in_dim3A_61 {strides = array<i32>} : memref<64x1xf32, #tpu.memory_space<vmem>>, vector<64x1xf32>,
    } else {
    }
    %get3A = arith.constant 0 : index
    %get3A_2 = arith.constant 0 : index
    %get3A_3 = arith.constant 0 : index
    %get3A_4 = vector.load %arg1[%get3A, %get3A_2, %get3A_3] : memref<2x1024x128xf32, #tpu.memory_space<vmem>>, vector<1x1024x128xf32>
    %get3A_5 = vector.shape_cast %get3A_4 : vector<1x1024x128xf32> to vector<1024x128xf32>
    %get3A_6 = arith.constant 1 : index
    %get3A_7 = arith.constant 0 : index
    %get3A_8 = arith.constant 0 : index
    %get3A_9 = vector.load %arg1[%get3A_6, %get3A_7, %get3A_8] : memref<2x1024x128xf32, #tpu.memory_space<vmem>>, vector<1x1024x128xf32>
    %get3A_10 = vector.shape_cast %get3A_9 : vector<1x1024x128xf32> to vector<1024x128xf32>
    %add3A = arith.addf %get3A_5, %get3A_10 : vector<1024x128xf32>
    %get3A_11 = arith.constant 0 : index
    %get3A_12 = arith.constant 0 : index
    %get3A_13 = vector.load %arg2[%get3A_11, %get3A_12] : memref<1024x128xf32, #tpu.memory_space<vmem>>, vector<1024x128xf32>
    %add3A_14 = arith.addf %add3A, %get3A_13 : vector<1024x128xf32>
    %get3A_15 = arith.constant 0 : index
    %get3A_16 = arith.constant 0 : index
    %get3A_17 = vector.load %arg3[%get3A_15, %get3A_16] : memref<1024x128xf32, #tpu.memory_space<vmem>>, vector<1024x128xf32>
    %mul3A = arith.mulf %add3A_14, %get3A_17 : vector<1024x128xf32>
    %get3A_18 = arith.constant 0 : index
    %get3A_19 = arith.constant 0 : index
    %get3A_20 = vector.load %arg4[%get3A_18, %get3A_19] : memref<1x128xf32, #tpu.memory_space<vmem>>, vector<1x128xf32>
    %add3A_21 = vector.broadcast %get3A_20 : vector<1x128xf32> to vector<1024x128xf32>
    %add3A_22 = arith.addf %mul3A, %add3A_21 : vector<1024x128xf32>
    %max3A = arith.constant 0.000000e+00 : f32
    %max3A_23 = vector.broadcast %max3A : f32 to vector<1024x128xf32>
    %max3A_24 = arith.maximumf %add3A_22, %max3A_23 : vector<1024x128xf32>
    %get3A_25 = arith.constant 0 : index
    %get3A_26 = arith.constant 0 : index
    %get3A_27 = arith.constant 0 : index
    %get3A_28 = vector.load %arg5[%get3A_25, %get3A_26, %get3A_27] : memref<1x1x1024xi32, #tpu.memory_space<vmem>>, vector<1x1x1024xi32>
    %get3A_29 = vector.shape_cast %get3A_28 : vector<1x1x1024xi32> to vector<1024xi32>
    %broadcast_in_dim3A = vector.shape_cast %get3A_29 : vector<1024xi32> to vector<1x1024xi32>
    %iota3A = tpu.iota {dimensions = array<i32: 0>} : vector<64x1024xi32>
    %eq3A_30 = vector.broadcast %broadcast_in_dim3A : vector<1x1024xi32> to vector<64x1024xi32>
    %eq3A_31 = arith.cmpi eq, %eq3A_30, %iota3A : vector<64x1024xi32>
    %convert_element_type3A_32 = arith.extui %eq3A_31 : vector<64x1024xi1> to vector<64x1024xi32>
    %convert_element_type3A_33 = arith.sitofp %convert_element_type3A_32 : vector<64x1024xi32> to vector<64x1024xf32>
    %get3A_34 = arith.constant 0 : index
    %get3A_35 = arith.constant 0 : index
    %get3A_36 = vector.load %arg9[%get3A_34, %get3A_35] : memref<64x128xf32, #tpu.memory_space<vmem>>, vector<64x128xf32>
    %dot_general3A = arith.constant dense<0.000000e+00> : vector<64x128xf32>
    %dot_general3A_37 = tpu.matmul %convert_element_type3A_33, %max3A_24, %dot_general3A {dimension_numbers = #tpu.dot_dimension_numbers<[1], [0], [0], [1], [0, 0, 1, 1], [], []>, transpose_lhs_hint = false} : vector<64x1024xf32>, vector<1024x128xf32>, vector<64x128xf32> -> vector<64x128xf32>
    %add3A_38 = arith.addf %get3A_36, %dot_general3A_37 : vector<64x128xf32>
    %swap3A = arith.constant 0 : index
    %swap3A_39 = arith.constant 0 : index
    %swap3A_40 = vector.load %arg9[%swap3A, %swap3A_39] : memref<64x128xf32, #tpu.memory_space<vmem>>, vector<64x128xf32>
    tpu.vector_store %arg9[%swap3A, %swap3A_39], %add3A_38 {strides = array<i32>} : memref<64x128xf32, #tpu.memory_space<vmem>>, vector<64x128xf32>,
    %get3A_41 = arith.constant 0 : index
    %get3A_42 = arith.constant 0 : index
    %get3A_43 = vector.load %arg10[%get3A_41, %get3A_42] : memref<64x1xf32, #tpu.memory_space<vmem>>, vector<64x1xf32>
    %reduce_sum3A = arith.constant dense<0.000000e+00> : vector<64xf32>
    %reduce_sum3A_44 = vector.multi_reduction <add>, %convert_element_type3A_33, %reduce_sum3A [1] : vector<64x1024xf32> to vector<64xf32>
    %broadcast_in_dim3A_45 = vector.shape_cast %reduce_sum3A_44 : vector<64xf32> to vector<64x1xf32>
    %add3A_46 = arith.addf %get3A_43, %broadcast_in_dim3A_45 : vector<64x1xf32>
    %swap3A_47 = arith.constant 0 : index
    %swap3A_48 = arith.constant 0 : index
    %swap3A_49 = vector.load %arg10[%swap3A_47, %swap3A_48] : memref<64x1xf32, #tpu.memory_space<vmem>>, vector<64x1xf32>
    tpu.vector_store %arg10[%swap3A_47, %swap3A_48], %add3A_46 {strides = array<i32>} : memref<64x1xf32, #tpu.memory_space<vmem>>, vector<64x1xf32>,
    %eq3A_50 = arith.constant 9 : i32
    %eq3A_51 = arith.cmpi eq, %arg0, %eq3A_50 : i32
    %convert_element_type3A_52 = arith.extui %eq3A_51 : i1 to i32
    %cond3A_53 = arith.constant 0 : i32
    %cond3A_54 = arith.cmpi ne, %convert_element_type3A_52, %cond3A_53 : i32
    scf.if %cond3A_54 {
      %get3A_55 = arith.constant 0 : index
      %get3A_56 = arith.constant 0 : index
      %get3A_57 = vector.load %arg9[%get3A_55, %get3A_56] : memref<64x128xf32, #tpu.memory_space<vmem>>, vector<64x128xf32>
      %get3A_58 = arith.constant 0 : index
      %get3A_59 = arith.constant 0 : index
      %get3A_60 = vector.load %arg10[%get3A_58, %get3A_59] : memref<64x1xf32, #tpu.memory_space<vmem>>, vector<64x1xf32>
      %max3A_61 = arith.constant 1.000000e+00 : f32
      %max3A_62 = vector.broadcast %max3A_61 : f32 to vector<64x1xf32>
      %max3A_63 = arith.maximumf %get3A_60, %max3A_62 : vector<64x1xf32>
      %div3A = vector.broadcast %max3A_63 : vector<64x1xf32> to vector<64x128xf32>
      %div3A_64 = arith.divf %get3A_57, %div3A : vector<64x128xf32>
      %get3A_65 = arith.constant 0 : index
      %get3A_66 = arith.constant 0 : index
      %get3A_67 = vector.load %arg6[%get3A_65, %get3A_66] : memref<1x128xf32, #tpu.memory_space<vmem>>, vector<1x128xf32>
      %mul3A_68 = vector.broadcast %get3A_67 : vector<1x128xf32> to vector<64x128xf32>
      %mul3A_69 = arith.mulf %div3A_64, %mul3A_68 : vector<64x128xf32>
      %reduce_sum3A_70 = arith.constant dense<0.000000e+00> : vector<64xf32>
      %reduce_sum3A_71 = vector.multi_reduction <add>, %mul3A_69, %reduce_sum3A_70 [1] : vector<64x128xf32> to vector<64xf32>
      %broadcast_in_dim3A_72 = vector.shape_cast %reduce_sum3A_71 : vector<64xf32> to vector<64x1xf32>
      %get3A_73 = arith.constant 0 : index
      %get3A_74 = arith.constant 0 : index
      %get3A_75 = vector.load %arg7[%get3A_73, %get3A_74] : memref<1x1xf32, #tpu.memory_space<vmem>>, vector<1x1xf32>
      %get3A_76 = vector.extract %get3A_75[0, 0] : f32 from vector<1x1xf32>
      %add3A_77 = vector.broadcast %get3A_76 : f32 to vector<64x1xf32>
      %add3A_78 = arith.addf %broadcast_in_dim3A_72, %add3A_77 : vector<64x1xf32>
      %neg3A = arith.constant 0.000000e+00 : f32
      %neg3A_79 = vector.broadcast %neg3A : f32 to vector<64x1xf32>
      %neg3A_80 = arith.subf %neg3A_79, %add3A_78 : vector<64x1xf32>
      %exp3A = math.exp %neg3A_80 : vector<64x1xf32>
      %add3A_81 = arith.constant 1.000000e+00 : f32
      %add3A_82 = vector.broadcast %add3A_81 : f32 to vector<64x1xf32>
      %add3A_83 = arith.addf %add3A_82, %exp3A : vector<64x1xf32>
      %div3A_84 = arith.constant 1.000000e+00 : f32
      %div3A_85 = vector.broadcast %div3A_84 : f32 to vector<64x1xf32>
      %div3A_86 = arith.divf %div3A_85, %add3A_83 : vector<64x1xf32>
      %swap3A_87 = arith.constant 0 : index
      %swap3A_88 = arith.constant 0 : index
      %swap3A_89 = vector.load %arg8[%swap3A_87, %swap3A_88] : memref<64x1xf32, #tpu.memory_space<vmem>>, vector<64x1xf32>
      tpu.vector_store %arg8[%swap3A_87, %swap3A_88], %div3A_86 {strides = array<i32>} : memref<64x1xf32, #tpu.memory_space<vmem>>, vector<64x1xf32>,
    } else {
    }
    return
  }
  func.func @transform_0(%arg0: i32) -> (i32, i32, i32) {
    %c0_i32 = arith.constant 0 : i32
    %c0_i32_0 = arith.constant 0 : i32
    %c0_i32_1 = arith.constant 0 : i32
    return %c0_i32, %arg0, %c0_i32_0 : i32, i32, i32
  }
  func.func @transform_1(%arg0: i32) -> (i32, i32) {
    %c0_i32 = arith.constant 0 : i32
    %c0_i32_0 = arith.constant 0 : i32
    return %arg0, %c0_i32 : i32, i32
  }
  func.func @transform_2(%arg0: i32) -> (i32, i32) {
    %c0_i32 = arith.constant 0 : i32
    %c0_i32_0 = arith.constant 0 : i32
    return %arg0, %c0_i32 : i32, i32
  }
  func.func @transform_3(%arg0: i32) -> (i32, i32) {
    %c0_i32 = arith.constant 0 : i32
    %c0_i32_0 = arith.constant 0 : i32
    %c0_i32_1 = arith.constant 0 : i32
    return %c0_i32, %c0_i32_0 : i32, i32
  }
  func.func @transform_4(%arg0: i32) -> (i32, i32, i32) {
    %c0_i32 = arith.constant 0 : i32
    %c0_i32_0 = arith.constant 0 : i32
    %c0_i32_1 = arith.constant 0 : i32
    return %arg0, %c0_i32, %c0_i32_0 : i32, i32, i32
  }
  func.func @transform_5(%arg0: i32) -> (i32, i32) {
    %c0_i32 = arith.constant 0 : i32
    %c0_i32_0 = arith.constant 0 : i32
    %c0_i32_1 = arith.constant 0 : i32
    return %c0_i32, %c0_i32_0 : i32, i32
  }
  func.func @transform_6(%arg0: i32) -> (i32, i32) {
    %c0_i32 = arith.constant 0 : i32
    %c0_i32_0 = arith.constant 0 : i32
    %c0_i32_1 = arith.constant 0 : i32
    return %c0_i32, %c0_i32_0 : i32, i32
  }
  func.func @transform_7(%arg0: i32) -> (i32, i32) {
    %c0_i32 = arith.constant 0 : i32
    %c0_i32_0 = arith.constant 0 : i32
    %c0_i32_1 = arith.constant 0 : i32
    return %c0_i32, %c0_i32_0 : i32, i32
  }
}

</mosaic_0001>

<sc_bundles>
// kernel: kernel.11.cloned.1.call-start
scs
__scs_entry_jumppad:
0x0: {  	(pc) =	sbr.rel $0x88, $3  }
0x1: {  	(tag) =	ssettag $0x0;
	lr =	simm.s32 $0x1  }
0x2: {  	[smem:$0x3F98] =	sst lr;
	_ =	strace $0xD0000000  }
0x3: {  	_ = 	snop  }
0x4: {  	_ = 	snop  }
0x5: {  	_ = 	snop  }
0x6: {  	_ = 	snop  }
0x7: {  	_ = 	snop  }
__scs_overlays_trampoline_lowered:
0x8: {  	[smem:$0x3FA7] =	sst s0  }
0x9: {  	[smem:$0x3FA8] =	sst s1  }
0xa: {  	[smem:$0x3FA9] =	sst s2  }
0xb: {  	[smem:$0x3FAA] =	sst s3  }
0xc: {  	[smem:$0x3FAB] =	sst s4  }
0xd: {  	[smem:$0x3FAC] =	sst s5  }
0xe: {  	[smem:$0x3FAD] =	sst s6  }
0xf: {  	[smem:$0x3FAE] =	sst s7  }
0x10: {  	[smem:$0x3FAF] =	sst s8  }
0x11: {  	[smem:$0x3FB0] =	sst s9;
	s0 =	simm.s32 @!p0 $0x0  }
0x12: {  	s1 =	sld [smem:$0x3F96];
	s0 =	simm.s32 @p0 $0x1  }
0x13: {  	[smem:$0x3FB1] =	sst s0;
	s0 =	simm.s32 @!p1 $0x0  }
0x14: {  	s2 =	sld [smem:$0x3F95];
	s0 =	simm.s32 @p1 $0x1  }
0x15: {  	[smem:$0x3FB2] =	sst s0;
	s0 =	simm.s32 @!p2 $0x0  }
0x16: {  	s3 =	sld [smem:$0x3FDB];
	s0 =	simm.s32 @p2 $0x1  }
0x17: {  	s4 =	simm.s32 $0x1BF5;
	[smem:$0x3FB4] =	sst s0  }
0x18: {  	s0 =	sld [smem:$0x3F97];
	_ =	swait.ge [sflag:s4], $0x0  }
0x19: {  	s7 =	sld [smem:$0x3F98]  }
0x1a: {  	s8 =	sadd.s32 $0xFFFFE003, lr  }
0x1b: {  	s9 =	sadd.s32 $0xFFFFFEF7, lr;
	s5 =	simm.s32 $0xFFFFFFFF;
	p2 =	slt.u32 s8, $0xFFFFF086  }
0x1c: {  	p1 =	slt.u32 s9, $0xF7A;
	s5 =	simm.s32 @!p2 $0x0  }
0x1d: {  	s5 =	simm.s32 @p1 $0x1;
	p0 =	seq.s32 s7, s2  }
0x1e: {  	s7 =	smul.u32 @!p0 $0xF7A, s2;
	p2 =	seq.s32 @!p0 s5, $0x0  }
0x1f: {  	s9 =	smul.u32 $0xF7A, s1;
	s8 =	simm.s32 @!p0 $0x1BF5;
	p2 =	por !p2, p0  }
0x20: {  	[sflag:s8] =	ssyncset.s32 @!p0 $0xFFFFF086;
	s6 =	sadd.s32 @!p0 s3, s7;
	s7 =	simm.s32 @!p0 $0x108  }
0x21: {  	s3 =	sadd.s32 s3, s9;
	s6 =	sadd.s32 @!p0 $0x88, s6;
	s7 =	simm.s32 @p2 $0x1082  }
0x22: {  	[simem:s7], [sflag:s8] =	dma.local @!p0 [hbm:s6], $0xF7A  }
0x23: {  	s9 =	sor.u32 $0xD0000000, s2;
	s6 =	simm.s32 $0x108;
	_ =	swait.ge @!p0 [sflag:s8], $0x0  }
0x24: {  	s3 =	sadd.s32 $0x88, s3;
	s6 =	simm.s32 @!p1 $0x1082;
	[sflag:s4] =	ssyncset.s32 $0xFFFFF086  }
0x25: {  	[simem:s6], [sflag:s4] =	dma.local [hbm:s3], $0xF7A  }
0x26: {  	[smem:$0x3F98] =	sst s1;
	(tag) =	ssettag s2;
	_ =	strace s9  }
0x27: {  	s1 =	sld [smem:$0x3FA8]  }
0x28: {  	s2 =	sld [smem:$0x3FA9]  }
0x29: {  	s4 =	sld [smem:$0x3FAB]  }
0x2a: {  	p0 =	seq.s32 s5, $0x0;
	s5 =	sld [smem:$0x3FAC]  }
0x2b: {  	s6 =	sld [smem:$0x3FAD]  }
0x2c: {  	s7 =	sld [smem:$0x3FAE]  }
0x2d: {  	s3 =	simm.s32 $0x108;
	s8 =	sld [smem:$0x3FAF]  }
0x2e: {  	s3 =	simm.s32 @!p0 $0x1082;
	s9 =	sld [smem:$0x3FB0]  }
0x2f: {  	lr =	sadd.s32 s0, s3;
	s0 =	sld [smem:$0x3FA7]  }
0x30: {  	s3 =	sld [smem:$0x3FAA]  }
0x31: {  	[smem:$0x3FB3] =	sst s10  }
0x32: {  	s10 =	sld [smem:$0x3FB1];
	_ =	sdelay $0x3  }
0x33: {  	p0 =	seq.s32 s10, $0x1;
	s10 =	sld [smem:$0x3FB3];
	_ =	sdelay $0x3  }
0x34: {  	[smem:$0x3FB3] =	sst s10  }
0x35: {  	s10 =	sld [smem:$0x3FB2];
	_ =	sdelay $0x3  }
0x36: {  	p1 =	seq.s32 s10, $0x1;
	s10 =	sld [smem:$0x3FB3];
	_ =	sdelay $0x3  }
0x37: {  	[smem:$0x3FB3] =	sst s10  }
0x38: {  	s10 =	sld [smem:$0x3FB4]  }
0x39: {  	_ = 	snop;
	(pc) =	sbr.ind lr, $3  }
0x3a: {  	_ = 	snop  }
0x3b: {  	_ = 	snop  }
0x3c: {  	p2 =	seq.s32 s10, $0x1;
	s10 =	sld [smem:$0x3FB3]  }
0x3d: {  	_ =	shalt  }
0x3e: {  	_ =	shalt  }
0x3f: {  	_ =	shalt  }
0x40: {  	_ =	shalt  }
0x41: {  	_ =	shalt  }
0x42: {  	_ =	shalt  }
0x43: {  	_ =	shalt  }
0x44: {  	_ =	shalt  }
0x45: {  	_ =	shalt  }
0x46: {  	_ =	shalt  }
0x47: {  	_ =	shalt  }
0x48: {  	_ =	shalt  }
0x49: {  	_ =	shalt  }
0x4a: {  	_ =	shalt  }
0x4b: {  	_ =	shalt  }
0x4c: {  	_ =	shalt  }
0x4d: {  	_ =	shalt  }
0x4e: {  	_ =	shalt  }
0x4f: {  	_ =	shalt  }
0x50: {  	_ =	shalt  }
0x51: {  	_ =	shalt  }
0x52: {  	_ =	shalt  }
0x53: {  	_ =	shalt  }
0x54: {  	_ =	shalt  }
0x55: {  	_ =	shalt  }
0x56: {  	_ =	shalt  }
0x57: {  	_ =	shalt  }
0x58: {  	_ =	shalt  }
0x59: {  	_ =	shalt  }
0x5a: {  	_ =	shalt  }
0x5b: {  	_ =	shalt  }
0x5c: {  	_ =	shalt  }
0x5d: {  	_ =	shalt  }
0x5e: {  	_ =	shalt  }
0x5f: {  	_ =	shalt  }
0x60: {  	_ =	shalt  }
0x61: {  	_ =	shalt  }
0x62: {  	_ =	shalt  }
0x63: {  	_ =	shalt  }
0x64: {  	_ =	shalt  }
0x65: {  	_ =	shalt  }
0x66: {  	_ =	shalt  }
0x67: {  	_ =	shalt  }
0x68: {  	_ =	shalt  }
0x69: {  	_ =	shalt  }
0x6a: {  	_ =	shalt  }
0x6b: {  	_ =	shalt  }
0x6c: {  	_ =	shalt  }
0x6d: {  	_ =	shalt  }
0x6e: {  	_ =	shalt  }
0x6f: {  	_ =	shalt  }
0x70: {  	_ =	shalt  }
0x71: {  	_ =	shalt  }
0x72: {  	_ =	shalt  }
0x73: {  	_ =	shalt  }
0x74: {  	_ =	shalt  }
0x75: {  	_ =	shalt  }
0x76: {  	_ =	shalt  }
0x77: {  	_ =	shalt  }
0x78: {  	_ =	shalt  }
0x79: {  	_ =	shalt  }
0x7a: {  	_ =	shalt  }
0x7b: {  	_ =	shalt  }
0x7c: {  	_ =	shalt  }
0x7d: {  	_ =	shalt  }
0x7e: {  	_ =	shalt  }
0x7f: {  	_ =	shalt  }
0x80: {  	_ =	shalt  }
0x81: {  	_ =	shalt  }
0x82: {  	_ =	shalt  }
0x83: {  	_ =	shalt  }
0x84: {  	_ =	shalt  }
0x85: {  	_ =	shalt  }
0x86: {  	_ =	shalt  }
0x87: {  	_ =	shalt  }
.Lfunc_end0:
.L_simem_size_0:
called_computation.1_lowered:
.L_overlay_start_0:
0x88: {  	s2 =	sld [smem:$0x3FD9]  }
0x89: {  	s3 =	sld [smem:$0x3FFE];
	_ =	sdelay $0x1  }
0x8a: {  	s1 =	srdreg.scid  }
0x8b: {  	s0 =	sand.u32 $0x1, s1  }
0x8c: {  	s16 =	sshll.u32 s0, $0xA;
	s2 =	sadd.s32 s3, s2  }
0x8d: {  	s2 =	sadd.s32 s2, s16  }
0x8e: {  	[smem:$0x3FBF] =	sst s2  }
0x8f: {  	_ = 	snop  }
0x90: {  	(tm) =	ssettm $0x1  }
0x91: {  	s17 =	sld [smem:$0x3FFB];
	_ =	sdelay $0x3  }
0x92: {  	_ =	strace s17  }
0x93: {  	s2 =	sld [smem:$0x3FFC];
	_ =	sdelay $0x3  }
0x94: {  	_ =	strace s2  }
0x95: {  	s2 =	sld [smem:$0x3FFD];
	_ =	sdelay $0x3  }
0x96: {  	_ =	strace s2  }
0x97: {  	_ =	strace $0x8FFFFFFF  }
0x98: {  	s18 =	sld [smem:$0x3FDB];
	_ =	sdelay $0x1  }
0x99: {  	s19 =	simm.s32 $_scs_section_size  }
0x9a: {  	s4 =	simm.s32 $_size__tile_overlayer_lowered;
	s5 =	simm.s32 $_tile_overlayer_lowered  }
0x9b: {  	s22 =	simm.s32 $0x1BFF;
	s21 =	sshll.u32 s5, $0x1;
	s2 =	sadd.s32 s19, s18  }
0x9c: {  	s6 =	simm.s32 $0x0;
	s20 =	sshll.u32 s4, $0x1;
	s4 =	sadd.s32 s21, s2  }
0x9d: {  	[timem:s6], [sflag:s22] =	dma.local [hbm:s4], s20  }
0x9e: {  	_ =	swait.ge [sflag:s22], s20  }
0x9f: {  	s3 =	ssub.s32 $0x0, s20;
	[sflag:s22] =	ssyncset.done $0x0  }
0xa0: {  	[sflag:s22] =	ssyncadd.s32 s3;
	_ =	sdelay $0x1  }
0xa1: {  	s23 =	simm.s32 $0x1B8B  }
0xa2: {  	_ =	swait.ge [sflag:s23], $0x1  }
0xa3: {  	[sflag:s23] =	ssyncset.done $0x0  }
0xa4: {  	s25 =	simm.s32 $0x1B8E;
	s24 =	sld [smem:$0x3FFE];
	[sflag:s23] =	ssyncadd.s32 $0xFFFFFFFF  }
0xa5: {  	s26 =	simm.s32 $execute0_lowered;
	[smem:$0x3FD2] =	sst s25  }
0xa6: {  	s4 =	sshll.u32 s26, $0x1;
	_ =	strace $0x80000049;
	[dreg:$0x1] =	wrdreg $0xFFFFFFFF  }
0xa7: {  	s28 =	simm.s32 $_size_execute0_lowered;
	s2 =	sadd.s32 s2, s4;
	[dreg:$0x0] =	wrdreg $0x0  }
0xa8: {  	s4 =	sshll.u32 s28, $0x1;
	[dreg:$0x2] =	wrdreg s2  }
0xa9: {  	[dreg:$0x3] =	wrdreg s4  }
0xaa: {  	[dreg:$0x4] =	wrdreg $0xC0  }
0xab: {  	_ =	task [dreg:s6], $0x5FFFF  }
0xac: {  	[dreg:$0x1] =	wrdreg $0xFFFFFFFF  }
0xad: {  	[dreg:$0x0] =	wrdreg $0x60  }
0xae: {  	[dreg:$0x2] =	wrdreg s24  }
0xaf: {  	[dreg:$0x3] =	wrdreg $0x82000  }
0xb0: {  	[dreg:$0x4] =	wrdreg $0x9  }
0xb1: {  	_ =	task.clear_ibuf [dreg:s6], $0x5FFFF;
	_ =	strace $0x90000049  }
0xb2: {  	s29 =	simm.s32 $0x9;
	_ =	strace $0x8000004B  }
0xb3: {  	_ =	swait.ge [sflag:s29], $0x1  }
0xb4: {  	[sflag:s29] =	ssyncadd.s32 $0xFFFFFFFF  }
0xb5: {  	_ =	strace $0x9000004B  }
0xb6: {  	_ =	sfence  }
0xb7: {  	s30 =	sld [smem:$0x0];
	_ =	sdelay $0x2  }
0xb8: {  	s31 =	sshll.u32 s1, $0xD;
	s1 =	sshrl.u32 s1, $0x2  }
0xb9: {  	s3 =	sand.u32 $0x4000, s31;
	s1 =	sadd.s32 s1, s30  }
0xba: {  	s0 =	sor.u32 s3, s0;
	s1 =	sshll.u32 s1, $0x11  }
0xbb: {  	s0 =	sor.u32 s1, s0  }
0xbc: {  	s0 =	sadd.s32 $0x8F2B, s0  }
0xbd: {  	[sflag:s0] =	ssyncadd.remote.s32 $0x1  }
0xbe: {  	_ =	sfence.sel $0xFFFF  }
0xbf: {  	[dreg:$0x0] =	wrdreg $0xFFFFFFFF;
	(pc) =	sbr.abs _section_cstart, $3  }
0xc0: {  	[dreg:$0x1] =	wrdreg $0xFFFFFFFF  }
0xc1: {  	_ =	task.clear_ibuf [dreg:s6], $0x2FFFF;
	_ =	strace $0x9FFFFFFF  }
0xc2: {  	(tm) =	ssettm $0x7FFFFFFF  }
0xc3: {  	_ =	shalt  }
tec
execute0_lowered:
.L_overlay_start_1:
0x0: {  	(tag) =	ssettag $0x1  }
0x1: {  	s6 =	rddreg [dreg:$0x0]  }
0x2: {  	s2 =	rddreg [dreg:$0x1]  }
0x3: {  	s0 =	rddreg [dreg:$0x2]  }
0x4: {  	s3 =	simm.s32 $0x0;
	s1 =	stileid.u32;
	s4 =	srdreg.scid  }
0x5: {  	s16 =	simm.s32 $0x100;
	s17 =	simm.s32 $0x1;
	s18 =	simm.s32 $0x80  }
0x6: {  	s19 =	simm.s32 $0x200;
	s20 =	simm.s32 $0x2;
	s21 =	simm.s32 $0x4200  }
0x7: {  	s22 =	simm.s32 $0x3;
	s23 =	simm.s32 $0x4;
	s7 =	smul.u32 $0x14000, s1  }
0x8: {  	[smem:$0x7FF] =	sst s3;
	s8 =	sand.u32 $0x1, s4;
	s24 =	smul.u32 $0x50000, s1  }
0x9: {  	s4 =	sadd.s32 $0x17000, s6;
	s5 =	sadd.s32 $0x2800, s6;
	s26 =	smul.u32 $0xA400, s1  }
0xa: {  	s11 =	sshll.u32 s1, $0x1;
	s28 =	sshll.u32 s1, $0x6;
	s9 =	smul.u32 $0x140000, s8  }
0xb: {  	s11 =	sor.u32 s8, s11;
	s25 =	ssub.s32 $0x2, s8;
	s8 =	smul.u32 $0x5200, s8  }
0xc: {  	_ =	strace $0x8000004A;
	s10 =	sshrl.u32 s7, $0x3;
	s11 =	smul.u32 $0x5200, s11  }
0xd: {  	s13 =	sshrl.u32 s25, $0x1;
	s7 =	sadd.s32 s7, s9;
	s10 =	sadd.s32 s10, s6  }
0xe: {  	s9 =	sshrl.u32 s24, $0x2;
	s13 =	ssub.s32 s25, s13;
	s15 =	sadd.s32 s8, s26  }
0xf: {  	s24 =	simm.s32 $0x180;
	s25 =	simm.s32 $0x0;
	s7 =	sshrl.u32 s7, $0x3  }
0x10: {  	s14 =	sadd.s32 s9, s2;
	s29 =	sshrl.u32 s11, $0x3;
	s30 =	sadd.s32 $0x300, s15  }
0x11: {  	s11 =	smax.u32 s13, $0x1;
	s13 =	sadd.s32 $0x200, s15;
	s15 =	simm.s32 $0x5  }
0x12: {  	s12 =	sadd.s32 s7, s6;
	s6 =	sadd.s32 $0x3F000, s10;
	s7 =	sor.u32 $0x1C05, s28  }
0x13: {  	s8 =	sadd.s32 s5, s29;
	s31 =	sshrl.u32 s30, $0x3;
	s14 =	sshrl.u32 s14, $0x3  }
0x14: {  	s9 =	sadd.s32 $0x20, s8;
	s10 =	sadd.s32 $0x67000, s12;
	s12 =	sadd.s32 s31, s5  }
.LBB2_1:
0x15: {  	[spmem:s14], [sflag:s7] =	dma.local [hbm:s6], $0x2800  }
0x16: {  	_ =	swait.ge [sflag:s15], $0x2800  }
0x17: {  	[sflag:s15] =	ssyncset.done $0x0  }
0x18: {  	[sflag:s15] =	ssyncadd.s32 $0xFFFFD800  }
0x19: {  	[bflag:$0x0] =	sbarrier.arrive $0xFFFF  }
0x1a: {  	[tilespmem:s3], [sflag:$0x1] =	stream.linear.gather [hbm4b:s8+s3], $0x100, $0x38;
	[tilespmem:$0x1C200] =	vst v63  }
0x1b: {  	_ = 	snop  }
0x1c: {  	[tilespmem:s16], [sflag:$0x2] =	stream.linear.gather [hbm4b:s9+s3], $0x100, $0x38;
	[tilespmem:$0x1C200] =	vst v63  }
0x1d: {  	_ =	swait.ge [sflag:s17], $0x100  }
0x1e: {  	[sflag:s17] =	ssyncset.done $0x0  }
0x1f: {  	[sflag:s17] =	ssyncadd.s32 $0xFFFFFF00  }
0x20: {  	[tilespmem:s19], [sflag:$0x3] =	stream.indirect.gather [hbm4b:s4+s18], $0x80, s3, s18, $0xb8;
	[tilespmem:$0x1C200] =	vst v63  }
0x21: {  	_ =	swait.ge [sflag:s20], $0x100  }
0x22: {  	[sflag:s20] =	ssyncset.done $0x0  }
0x23: {  	[sflag:s20] =	ssyncadd.s32 $0xFFFFFF00  }
0x24: {  	[tilespmem:s21], [sflag:$0x4] =	stream.indirect.gather [hbm4b:s4+s18], $0x80, s16, s18, $0xb8;
	[tilespmem:$0x1C200] =	vst v63  }
0x25: {  	_ =	swait.ge [sflag:s22], $0x4000  }
0x26: {  	s26 =	sshrl.u32 s13, $0x3;
	[sflag:s22] =	ssyncset.done $0x0  }
0x27: {  	s26 =	sadd.s32 s5, s26;
	[sflag:s22] =	ssyncadd.s32 $0xFFFFC000  }
0x28: {  	[tilespmem:s3], [sflag:$0x1] =	stream.linear.gather [hbm4b:s26+s3], $0x100, $0x38;
	[tilespmem:$0x1C200] =	vst v63  }
0x29: {  	_ = 	snop  }
0x2a: {  	[spmem:s2] =	stream.indirect.scatter.add.f32 [tilespmem:s19], [sflag:$0x5], $0x80, s18, s18, $0xb8;
	[tilespmem:$0x1C200] =	vst v63  }
0x2b: {  	_ =	swait.ge [sflag:s15], $0x4000  }
0x2c: {  	[sflag:s15] =	ssyncset.done $0x0  }
0x2d: {  	[sflag:s15] =	ssyncadd.s32 $0xFFFFC000  }
0x2e: {  	_ =	swait.ge [sflag:s17], $0x100  }
0x2f: {  	[sflag:s17] =	ssyncset.done $0x0  }
0x30: {  	[sflag:s17] =	ssyncadd.s32 $0xFFFFFF00  }
0x31: {  	[tilespmem:s19], [sflag:$0x3] =	stream.indirect.gather [hbm4b:s4+s18], $0x80, s3, s18, $0xb8;
	[tilespmem:$0x1C200] =	vst v63  }
0x32: {  	_ =	swait.ge [sflag:s23], $0x4000  }
0x33: {  	[sflag:s23] =	ssyncset.done $0x0  }
0x34: {  	s31 =	sadd.s32 $0x0, s12;
	[sflag:s23] =	ssyncadd.s32 $0xFFFFC000  }
0x35: {  	[tilespmem:s16], [sflag:$0x2] =	stream.linear.gather [hbm4b:s31+s3], $0x100, $0x38;
	[tilespmem:$0x1C200] =	vst v63  }
0x36: {  	_ = 	snop  }
0x37: {  	[spmem:s2] =	stream.indirect.scatter.add.f32 [tilespmem:s21], [sflag:$0x5], $0x80, s24, s18, $0xb8;
	[tilespmem:$0x1C200] =	vst v63  }
0x38: {  	_ =	swait.ge [sflag:s15], $0x4000  }
0x39: {  	[sflag:s15] =	ssyncset.done $0x0  }
0x3a: {  	[sflag:s15] =	ssyncadd.s32 $0xFFFFC000  }
0x3b: {  	_ =	swait.ge [sflag:s20], $0x100  }
0x3c: {  	[sflag:s20] =	ssyncset.done $0x0  }
0x3d: {  	s28 =	sadd.s32 $0x200, s13;
	s26 =	simm.s32 $0x40;
	[sflag:s20] =	ssyncadd.s32 $0xFFFFFF00  }
.LBB2_2:
0x3e: {  	[tilespmem:s21], [sflag:$0x4] =	stream.indirect.gather [hbm4b:s4+s18], $0x80, s16, s18, $0xb8;
	[tilespmem:$0x1C200] =	vst v63  }
0x3f: {  	s29 =	smov.u32 s26  }
0x40: {  	p0 =	sne.s32 s26, $0x9C0;
	s26 =	sadd.s32 $0x40, s26;
	_ =	swait.ge [sflag:s22], $0x4000  }
0x41: {  	s30 =	sshrl.u32 s28, $0x3;
	[sflag:s22] =	ssyncset.done $0x0  }
0x42: {  	s30 =	sadd.s32 s5, s30;
	[sflag:s22] =	ssyncadd.s32 $0xFFFFC000  }
0x43: {  	[tilespmem:s3], [sflag:$0x1] =	stream.linear.gather [hbm4b:s30+s3], $0x100, $0x38;
	[tilespmem:$0x1C200] =	vst v63  }
0x44: {  	_ = 	snop  }
0x45: {  	[spmem:s2] =	stream.indirect.scatter.add.f32 [tilespmem:s19], [sflag:$0x5], $0x80, s18, s18, $0xb8;
	[tilespmem:$0x1C200] =	vst v63  }
0x46: {  	_ =	swait.ge [sflag:s15], $0x4000  }
0x47: {  	[sflag:s15] =	ssyncset.done $0x0  }
0x48: {  	[sflag:s15] =	ssyncadd.s32 $0xFFFFC000  }
0x49: {  	_ =	swait.ge [sflag:s17], $0x100  }
0x4a: {  	[sflag:s17] =	ssyncset.done $0x0  }
0x4b: {  	[sflag:s17] =	ssyncadd.s32 $0xFFFFFF00  }
0x4c: {  	[tilespmem:s19], [sflag:$0x3] =	stream.indirect.gather [hbm4b:s4+s18], $0x80, s3, s18, $0xb8;
	[tilespmem:$0x1C200] =	vst v63  }
0x4d: {  	_ =	swait.ge [sflag:s23], $0x4000  }
0x4e: {  	[sflag:s23] =	ssyncset.done $0x0  }
0x4f: {  	s29 =	sadd.s32 s29, s12;
	[sflag:s23] =	ssyncadd.s32 $0xFFFFC000  }
0x50: {  	[tilespmem:s16], [sflag:$0x2] =	stream.linear.gather [hbm4b:s29+s3], $0x100, $0x38;
	[tilespmem:$0x1C200] =	vst v63  }
0x51: {  	_ = 	snop  }
0x52: {  	[spmem:s2] =	stream.indirect.scatter.add.f32 [tilespmem:s21], [sflag:$0x5], $0x80, s24, s18, $0xb8;
	[tilespmem:$0x1C200] =	vst v63  }
0x53: {  	_ =	swait.ge [sflag:s15], $0x4000  }
.Ltmp0:
0x54: {  	[sflag:s15] =	ssyncset.done $0x0;
	(pc) =	sbr.rel @p0 .LBB2_2-.Ltmp0, $4  }
0x55: {  	[sflag:s15] =	ssyncadd.s32 $0xFFFFC000  }
0x56: {  	_ =	swait.ge [sflag:s20], $0x100  }
0x57: {  	[sflag:s20] =	ssyncset.done $0x0  }
0x58: {  	s28 =	sadd.s32 $0x200, s28;
	[sflag:s20] =	ssyncadd.s32 $0xFFFFFF00  }
0x59: {  	[tilespmem:s21], [sflag:$0x4] =	stream.indirect.gather [hbm4b:s4+s18], $0x80, s16, s18, $0xb8;
	[tilespmem:$0x1C200] =	vst v63  }
0x5a: {  	_ =	swait.ge [sflag:s22], $0x4000  }
0x5b: {  	[sflag:s22] =	ssyncset.done $0x0  }
0x5c: {  	[sflag:s22] =	ssyncadd.s32 $0xFFFFC000  }
0x5d: {  	_ =	swait.ge [sflag:s23], $0x4000  }
0x5e: {  	s25 =	sadd.s32 $0x1, s25;
	[sflag:s23] =	ssyncset.done $0x0  }
0x5f: {  	p0 =	sne.s32 s25, s11;
	[sflag:s23] =	ssyncadd.s32 $0xFFFFC000  }
.Ltmp1:
0x60: {  	[bflag:$0x0] =	sbarrier.arrive $0xFFFF;
	(pc) =	sbr.rel @p0 .LBB2_1-.Ltmp1, $4  }
0x61: {  	[hbm:s10], [sflag:s7] =	dma.local [spmem:s14], $0x2800  }
0x62: {  	_ =	swait.ge [sflag:s15], $0x2800  }
0x63: {  	[sflag:s15] =	ssyncset.done $0x0  }
0x64: {  	[sflag:s15] =	ssyncadd.s32 $0xFFFFD800  }
0x65: {  	_ =	sfence.sel $0x180000  }
0x66: {  	[bflag:$0x0] =	sbarrier.arrive $0xFFFF  }
0x67: {  	p0 =	sne.s32 s1, $0x0;
	_ =	strace $0x9000004A  }
0x68: {  	s0 =	sadd.s32 @!p0 $0x100000, s0;
	[bflag:$0x2] =	sbarrier.arrive $0xFFFF  }
0x69: {  	[sflag:s0] =	ssyncadd.tile.s32 @!p0 $0x1;
	_ =	shalt  }
.Lfunc_end2:
_tile_overlayer_lowered:
.L_overlay_start_2:
0x6a: {  	(tag) =	ssettag $0x2  }
0x6b: {  	s0 =	rddreg [dreg:$0x0];
	s2 =	stileid.u32  }
0x6c: {  	s1 =	rddreg [dreg:$0x1];
	p0 =	sne.s32 s2, $0x0  }
0x6d: {  	s3 =	rddreg [dreg:$0x2];
	[bflag:$0x3] =	sbarrier.arrive $0xFFFF;
	s2 =	simm.s32 @!p0 $0x1C05  }
0x6e: {  	[timem:s3], [sflag:s2] =	dma.local @!p0 [hbm:s0], s1  }
0x6f: {  	s0 =	simm.s32 @!p0 $0x5  }
0x70: {  	_ =	swait.ge @!p0 [sflag:s0], s1  }
0x71: {  	s1 =	ssub.s32 @!p0 $0x0, s1;
	[sflag:s0] =	ssyncset.done @!p0 $0x0  }
0x72: {  	[sflag:s0] =	ssyncadd.s32 @!p0 s1  }
0x73: {  	[bflag:$0x3] =	sbarrier.arrive $0xFFFF  }
0x74: {  	_ =	shalt  }

// kernel: kernel.14.cloned.1.call-start
scs
__scs_entry_jumppad:
0x0: {  	(pc) =	sbr.rel $0x88, $3  }
0x1: {  	(tag) =	ssettag $0x0;
	lr =	simm.s32 $0x1  }
0x2: {  	[smem:$0x3F98] =	sst lr;
	_ =	strace $0xD0000000  }
0x3: {  	_ = 	snop  }
0x4: {  	_ = 	snop  }
0x5: {  	_ = 	snop  }
0x6: {  	_ = 	snop  }
0x7: {  	_ = 	snop  }
__scs_overlays_trampoline_lowered:
0x8: {  	[smem:$0x3FA7] =	sst s0  }
0x9: {  	[smem:$0x3FA8] =	sst s1  }
0xa: {  	[smem:$0x3FA9] =	sst s2  }
0xb: {  	[smem:$0x3FAA] =	sst s3  }
0xc: {  	[smem:$0x3FAB] =	sst s4  }
0xd: {  	[smem:$0x3FAC] =	sst s5  }
0xe: {  	[smem:$0x3FAD] =	sst s6  }
0xf: {  	[smem:$0x3FAE] =	sst s7  }
0x10: {  	[smem:$0x3FAF] =	sst s8  }
0x11: {  	[smem:$0x3FB0] =	sst s9;
	s0 =	simm.s32 @!p0 $0x0  }
0x12: {  	s1 =	sld [smem:$0x3F96];
	s0 =	simm.s32 @p0 $0x1  }
0x13: {  	[smem:$0x3FB1] =	sst s0;
	s0 =	simm.s32 @!p1 $0x0  }
0x14: {  	s2 =	sld [smem:$0x3F95];
	s0 =	simm.s32 @p1 $0x1  }
0x15: {  	[smem:$0x3FB2] =	sst s0;
	s0 =	simm.s32 @!p2 $0x0  }
0x16: {  	s3 =	sld [smem:$0x3FDB];
	s0 =	simm.s32 @p2 $0x1  }
0x17: {  	s4 =	simm.s32 $0x1BF5;
	[smem:$0x3FB4] =	sst s0  }
0x18: {  	s0 =	sld [smem:$0x3F97];
	_ =	swait.ge [sflag:s4], $0x0  }
0x19: {  	s7 =	sld [smem:$0x3F98]  }
0x1a: {  	s8 =	sadd.s32 $0xFFFFE003, lr  }
0x1b: {  	s9 =	sadd.s32 $0xFFFFFEF7, lr;
	s5 =	simm.s32 $0xFFFFFFFF;
	p2 =	slt.u32 s8, $0xFFFFF086  }
0x1c: {  	p1 =	slt.u32 s9, $0xF7A;
	s5 =	simm.s32 @!p2 $0x0  }
0x1d: {  	s5 =	simm.s32 @p1 $0x1;
	p0 =	seq.s32 s7, s2  }
0x1e: {  	s7 =	smul.u32 @!p0 $0xF7A, s2;
	p2 =	seq.s32 @!p0 s5, $0x0  }
0x1f: {  	s9 =	smul.u32 $0xF7A, s1;
	s8 =	simm.s32 @!p0 $0x1BF5;
	p2 =	por !p2, p0  }
0x20: {  	[sflag:s8] =	ssyncset.s32 @!p0 $0xFFFFF086;
	s6 =	sadd.s32 @!p0 s3, s7;
	s7 =	simm.s32 @!p0 $0x108  }
0x21: {  	s3 =	sadd.s32 s3, s9;
	s6 =	sadd.s32 @!p0 $0x88, s6;
	s7 =	simm.s32 @p2 $0x1082  }
0x22: {  	[simem:s7], [sflag:s8] =	dma.local @!p0 [hbm:s6], $0xF7A  }
0x23: {  	s9 =	sor.u32 $0xD0000000, s2;
	s6 =	simm.s32 $0x108;
	_ =	swait.ge @!p0 [sflag:s8], $0x0  }
0x24: {  	s3 =	sadd.s32 $0x88, s3;
	s6 =	simm.s32 @!p1 $0x1082;
	[sflag:s4] =	ssyncset.s32 $0xFFFFF086  }
0x25: {  	[simem:s6], [sflag:s4] =	dma.local [hbm:s3], $0xF7A  }
0x26: {  	[smem:$0x3F98] =	sst s1;
	(tag) =	ssettag s2;
	_ =	strace s9  }
0x27: {  	s1 =	sld [smem:$0x3FA8]  }
0x28: {  	s2 =	sld [smem:$0x3FA9]  }
0x29: {  	s4 =	sld [smem:$0x3FAB]  }
0x2a: {  	p0 =	seq.s32 s5, $0x0;
	s5 =	sld [smem:$0x3FAC]  }
0x2b: {  	s6 =	sld [smem:$0x3FAD]  }
0x2c: {  	s7 =	sld [smem:$0x3FAE]  }
0x2d: {  	s3 =	simm.s32 $0x108;
	s8 =	sld [smem:$0x3FAF]  }
0x2e: {  	s3 =	simm.s32 @!p0 $0x1082;
	s9 =	sld [smem:$0x3FB0]  }
0x2f: {  	lr =	sadd.s32 s0, s3;
	s0 =	sld [smem:$0x3FA7]  }
0x30: {  	s3 =	sld [smem:$0x3FAA]  }
0x31: {  	[smem:$0x3FB3] =	sst s10  }
0x32: {  	s10 =	sld [smem:$0x3FB1];
	_ =	sdelay $0x3  }
0x33: {  	p0 =	seq.s32 s10, $0x1;
	s10 =	sld [smem:$0x3FB3];
	_ =	sdelay $0x3  }
0x34: {  	[smem:$0x3FB3] =	sst s10  }
0x35: {  	s10 =	sld [smem:$0x3FB2];
	_ =	sdelay $0x3  }
0x36: {  	p1 =	seq.s32 s10, $0x1;
	s10 =	sld [smem:$0x3FB3];
	_ =	sdelay $0x3  }
0x37: {  	[smem:$0x3FB3] =	sst s10  }
0x38: {  	s10 =	sld [smem:$0x3FB4]  }
0x39: {  	_ = 	snop;
	(pc) =	sbr.ind lr, $3  }
0x3a: {  	_ = 	snop  }
0x3b: {  	_ = 	snop  }
0x3c: {  	p2 =	seq.s32 s10, $0x1;
	s10 =	sld [smem:$0x3FB3]  }
0x3d: {  	_ =	shalt  }
0x3e: {  	_ =	shalt  }
0x3f: {  	_ =	shalt  }
0x40: {  	_ =	shalt  }
0x41: {  	_ =	shalt  }
0x42: {  	_ =	shalt  }
0x43: {  	_ =	shalt  }
0x44: {  	_ =	shalt  }
0x45: {  	_ =	shalt  }
0x46: {  	_ =	shalt  }
0x47: {  	_ =	shalt  }
0x48: {  	_ =	shalt  }
0x49: {  	_ =	shalt  }
0x4a: {  	_ =	shalt  }
0x4b: {  	_ =	shalt  }
0x4c: {  	_ =	shalt  }
0x4d: {  	_ =	shalt  }
0x4e: {  	_ =	shalt  }
0x4f: {  	_ =	shalt  }
0x50: {  	_ =	shalt  }
0x51: {  	_ =	shalt  }
0x52: {  	_ =	shalt  }
0x53: {  	_ =	shalt  }
0x54: {  	_ =	shalt  }
0x55: {  	_ =	shalt  }
0x56: {  	_ =	shalt  }
0x57: {  	_ =	shalt  }
0x58: {  	_ =	shalt  }
0x59: {  	_ =	shalt  }
0x5a: {  	_ =	shalt  }
0x5b: {  	_ =	shalt  }
0x5c: {  	_ =	shalt  }
0x5d: {  	_ =	shalt  }
0x5e: {  	_ =	shalt  }
0x5f: {  	_ =	shalt  }
0x60: {  	_ =	shalt  }
0x61: {  	_ =	shalt  }
0x62: {  	_ =	shalt  }
0x63: {  	_ =	shalt  }
0x64: {  	_ =	shalt  }
0x65: {  	_ =	shalt  }
0x66: {  	_ =	shalt  }
0x67: {  	_ =	shalt  }
0x68: {  	_ =	shalt  }
0x69: {  	_ =	shalt  }
0x6a: {  	_ =	shalt  }
0x6b: {  	_ =	shalt  }
0x6c: {  	_ =	shalt  }
0x6d: {  	_ =	shalt  }
0x6e: {  	_ =	shalt  }
0x6f: {  	_ =	shalt  }
0x70: {  	_ =	shalt  }
0x71: {  	_ =	shalt  }
0x72: {  	_ =	shalt  }
0x73: {  	_ =	shalt  }
0x74: {  	_ =	shalt  }
0x75: {  	_ =	shalt  }
0x76: {  	_ =	shalt  }
0x77: {  	_ =	shalt  }
0x78: {  	_ =	shalt  }
0x79: {  	_ =	shalt  }
0x7a: {  	_ =	shalt  }
0x7b: {  	_ =	shalt  }
0x7c: {  	_ =	shalt  }
0x7d: {  	_ =	shalt  }
0x7e: {  	_ =	shalt  }
0x7f: {  	_ =	shalt  }
0x80: {  	_ =	shalt  }
0x81: {  	_ =	shalt  }
0x82: {  	_ =	shalt  }
0x83: {  	_ =	shalt  }
0x84: {  	_ =	shalt  }
0x85: {  	_ =	shalt  }
0x86: {  	_ =	shalt  }
0x87: {  	_ =	shalt  }
.Lfunc_end0:
.L_simem_size_0:
called_computation.2_lowered:
.L_overlay_start_0:
0x88: {  	s2 =	sld [smem:$0x3FD9]  }
0x89: {  	s3 =	sld [smem:$0x3FFE];
	_ =	sdelay $0x1  }
0x8a: {  	s1 =	srdreg.scid  }
0x8b: {  	s0 =	sand.u32 $0x1, s1  }
0x8c: {  	s16 =	sshll.u32 s0, $0xA;
	s2 =	sadd.s32 s3, s2  }
0x8d: {  	s2 =	sadd.s32 s2, s16  }
0x8e: {  	[smem:$0x3FBF] =	sst s2  }
0x8f: {  	_ = 	snop  }
0x90: {  	(tm) =	ssettm $0x1  }
0x91: {  	s17 =	sld [smem:$0x3FFB];
	_ =	sdelay $0x3  }
0x92: {  	_ =	strace s17  }
0x93: {  	s2 =	sld [smem:$0x3FFC];
	_ =	sdelay $0x3  }
0x94: {  	_ =	strace s2  }
0x95: {  	s2 =	sld [smem:$0x3FFD];
	_ =	sdelay $0x3  }
0x96: {  	_ =	strace s2  }
0x97: {  	_ =	strace $0x8FFFFFFF  }
0x98: {  	s18 =	sld [smem:$0x3FDB];
	_ =	sdelay $0x1  }
0x99: {  	s19 =	simm.s32 $_scs_section_size  }
0x9a: {  	s4 =	simm.s32 $_size__tile_overlayer_lowered;
	s5 =	simm.s32 $_tile_overlayer_lowered  }
0x9b: {  	s22 =	simm.s32 $0x1BFF;
	s21 =	sshll.u32 s5, $0x1;
	s2 =	sadd.s32 s19, s18  }
0x9c: {  	s6 =	simm.s32 $0x0;
	s20 =	sshll.u32 s4, $0x1;
	s4 =	sadd.s32 s21, s2  }
0x9d: {  	[timem:s6], [sflag:s22] =	dma.local [hbm:s4], s20  }
0x9e: {  	_ =	swait.ge [sflag:s22], s20  }
0x9f: {  	s3 =	ssub.s32 $0x0, s20;
	[sflag:s22] =	ssyncset.done $0x0  }
0xa0: {  	[sflag:s22] =	ssyncadd.s32 s3;
	_ =	sdelay $0x1  }
0xa1: {  	s23 =	simm.s32 $0x1B8B  }
0xa2: {  	_ =	swait.ge [sflag:s23], $0x1  }
0xa3: {  	[sflag:s23] =	ssyncset.done $0x0  }
0xa4: {  	s25 =	simm.s32 $0x1B8E;
	s24 =	sld [smem:$0x3FFE];
	[sflag:s23] =	ssyncadd.s32 $0xFFFFFFFF  }
0xa5: {  	s26 =	simm.s32 $execute0_lowered;
	[smem:$0x3FD2] =	sst s25  }
0xa6: {  	s4 =	sshll.u32 s26, $0x1;
	_ =	strace $0x8000004C;
	[dreg:$0x1] =	wrdreg $0xFFFFFFFF  }
0xa7: {  	s28 =	simm.s32 $_size_execute0_lowered;
	s2 =	sadd.s32 s2, s4;
	[dreg:$0x0] =	wrdreg $0x0  }
0xa8: {  	s4 =	sshll.u32 s28, $0x1;
	[dreg:$0x2] =	wrdreg s2  }
0xa9: {  	[dreg:$0x3] =	wrdreg s4  }
0xaa: {  	[dreg:$0x4] =	wrdreg $0xC0  }
0xab: {  	_ =	task [dreg:s6], $0x5FFFF  }
0xac: {  	[dreg:$0x1] =	wrdreg $0xFFFFFFFF  }
0xad: {  	[dreg:$0x0] =	wrdreg $0x60  }
0xae: {  	[dreg:$0x2] =	wrdreg s24  }
0xaf: {  	[dreg:$0x3] =	wrdreg $0x82000  }
0xb0: {  	[dreg:$0x4] =	wrdreg $0x9  }
0xb1: {  	_ =	task.clear_ibuf [dreg:s6], $0x5FFFF;
	_ =	strace $0x9000004C  }
0xb2: {  	s29 =	simm.s32 $0x9;
	_ =	strace $0x8000004E  }
0xb3: {  	_ =	swait.ge [sflag:s29], $0x1  }
0xb4: {  	[sflag:s29] =	ssyncadd.s32 $0xFFFFFFFF  }
0xb5: {  	_ =	strace $0x9000004E  }
0xb6: {  	_ =	sfence  }
0xb7: {  	s30 =	sld [smem:$0x0];
	_ =	sdelay $0x2  }
0xb8: {  	s31 =	sshll.u32 s1, $0xD;
	s1 =	sshrl.u32 s1, $0x2  }
0xb9: {  	s3 =	sand.u32 $0x4000, s31;
	s1 =	sadd.s32 s1, s30  }
0xba: {  	s0 =	sor.u32 s3, s0;
	s1 =	sshll.u32 s1, $0x11  }
0xbb: {  	s0 =	sor.u32 s1, s0  }
0xbc: {  	s0 =	sadd.s32 $0x8F2B, s0  }
0xbd: {  	[sflag:s0] =	ssyncadd.remote.s32 $0x1  }
0xbe: {  	_ =	sfence.sel $0xFFFF  }
0xbf: {  	[dreg:$0x0] =	wrdreg $0xFFFFFFFF;
	(pc) =	sbr.abs _section_cstart, $3  }
0xc0: {  	[dreg:$0x1] =	wrdreg $0xFFFFFFFF  }
0xc1: {  	_ =	task.clear_ibuf [dreg:s6], $0x2FFFF;
	_ =	strace $0x9FFFFFFF  }
0xc2: {  	(tm) =	ssettm $0x7FFFFFFF  }
0xc3: {  	_ =	shalt  }
tec
execute0_lowered:
.L_overlay_start_1:
0x0: {  	(tag) =	ssettag $0x1  }
0x1: {  	s6 =	rddreg [dreg:$0x0]  }
0x2: {  	s2 =	rddreg [dreg:$0x1]  }
0x3: {  	s0 =	rddreg [dreg:$0x2]  }
0x4: {  	s3 =	simm.s32 $0x0;
	s1 =	stileid.u32;
	s4 =	srdreg.scid  }
0x5: {  	s16 =	simm.s32 $0x100;
	s17 =	simm.s32 $0x1;
	s18 =	simm.s32 $0x80  }
0x6: {  	s19 =	simm.s32 $0x200;
	s20 =	simm.s32 $0x2;
	s21 =	simm.s32 $0x4200  }
0x7: {  	s22 =	simm.s32 $0x3;
	s23 =	simm.s32 $0x4;
	s7 =	smul.u32 $0x14000, s1  }
0x8: {  	[smem:$0x7FF] =	sst s3;
	s8 =	sand.u32 $0x1, s4;
	s24 =	smul.u32 $0x50000, s1  }
0x9: {  	s4 =	sadd.s32 $0x17000, s6;
	s5 =	sadd.s32 $0x2800, s6;
	s26 =	smul.u32 $0xA400, s1  }
0xa: {  	s11 =	sshll.u32 s1, $0x1;
	s28 =	sshll.u32 s1, $0x6;
	s9 =	smul.u32 $0x140000, s8  }
0xb: {  	s11 =	sor.u32 s8, s11;
	s25 =	ssub.s32 $0x2, s8;
	s8 =	smul.u32 $0x5200, s8  }
0xc: {  	_ =	strace $0x8000004D;
	s10 =	sshrl.u32 s7, $0x3;
	s11 =	smul.u32 $0x5200, s11  }
0xd: {  	s13 =	sshrl.u32 s25, $0x1;
	s7 =	sadd.s32 s7, s9;
	s10 =	sadd.s32 s10, s6  }
0xe: {  	s9 =	sshrl.u32 s24, $0x2;
	s13 =	ssub.s32 s25, s13;
	s15 =	sadd.s32 s8, s26  }
0xf: {  	s24 =	simm.s32 $0x180;
	s25 =	simm.s32 $0x0;
	s7 =	sshrl.u32 s7, $0x3  }
0x10: {  	s14 =	sadd.s32 s9, s2;
	s29 =	sshrl.u32 s11, $0x3;
	s30 =	sadd.s32 $0x300, s15  }
0x11: {  	s11 =	smax.u32 s13, $0x1;
	s13 =	sadd.s32 $0x200, s15;
	s15 =	simm.s32 $0x5  }
0x12: {  	s12 =	sadd.s32 s7, s6;
	s6 =	sadd.s32 $0x3F000, s10;
	s7 =	sor.u32 $0x1C05, s28  }
0x13: {  	s8 =	sadd.s32 s5, s29;
	s31 =	sshrl.u32 s30, $0x3;
	s14 =	sshrl.u32 s14, $0x3  }
0x14: {  	s9 =	sadd.s32 $0x20, s8;
	s10 =	sadd.s32 $0x67000, s12;
	s12 =	sadd.s32 s31, s5  }
.LBB2_1:
0x15: {  	[spmem:s14], [sflag:s7] =	dma.local [hbm:s6], $0x2800  }
0x16: {  	_ =	swait.ge [sflag:s15], $0x2800  }
0x17: {  	[sflag:s15] =	ssyncset.done $0x0  }
0x18: {  	[sflag:s15] =	ssyncadd.s32 $0xFFFFD800  }
0x19: {  	[bflag:$0x0] =	sbarrier.arrive $0xFFFF  }
0x1a: {  	[tilespmem:s3], [sflag:$0x1] =	stream.linear.gather [hbm4b:s8+s3], $0x100, $0x38;
	[tilespmem:$0x1C200] =	vst v63  }
0x1b: {  	_ = 	snop  }
0x1c: {  	[tilespmem:s16], [sflag:$0x2] =	stream.linear.gather [hbm4b:s9+s3], $0x100, $0x38;
	[tilespmem:$0x1C200] =	vst v63  }
0x1d: {  	_ =	swait.ge [sflag:s17], $0x100  }
0x1e: {  	[sflag:s17] =	ssyncset.done $0x0  }
0x1f: {  	[sflag:s17] =	ssyncadd.s32 $0xFFFFFF00  }
0x20: {  	[tilespmem:s19], [sflag:$0x3] =	stream.indirect.gather [hbm4b:s4+s18], $0x80, s3, s18, $0xb8;
	[tilespmem:$0x1C200] =	vst v63  }
0x21: {  	_ =	swait.ge [sflag:s20], $0x100  }
0x22: {  	[sflag:s20] =	ssyncset.done $0x0  }
0x23: {  	[sflag:s20] =	ssyncadd.s32 $0xFFFFFF00  }
0x24: {  	[tilespmem:s21], [sflag:$0x4] =	stream.indirect.gather [hbm4b:s4+s18], $0x80, s16, s18, $0xb8;
	[tilespmem:$0x1C200] =	vst v63  }
0x25: {  	_ =	swait.ge [sflag:s22], $0x4000  }
0x26: {  	s26 =	sshrl.u32 s13, $0x3;
	[sflag:s22] =	ssyncset.done $0x0  }
0x27: {  	s26 =	sadd.s32 s5, s26;
	[sflag:s22] =	ssyncadd.s32 $0xFFFFC000  }
0x28: {  	[tilespmem:s3], [sflag:$0x1] =	stream.linear.gather [hbm4b:s26+s3], $0x100, $0x38;
	[tilespmem:$0x1C200] =	vst v63  }
0x29: {  	_ = 	snop  }
0x2a: {  	[spmem:s2] =	stream.indirect.scatter.add.f32 [tilespmem:s19], [sflag:$0x5], $0x80, s18, s18, $0xb8;
	[tilespmem:$0x1C200] =	vst v63  }
0x2b: {  	_ =	swait.ge [sflag:s15], $0x4000  }
0x2c: {  	[sflag:s15] =	ssyncset.done $0x0  }
0x2d: {  	[sflag:s15] =	ssyncadd.s32 $0xFFFFC000  }
0x2e: {  	_ =	swait.ge [sflag:s17], $0x100  }
0x2f: {  	[sflag:s17] =	ssyncset.done $0x0  }
0x30: {  	[sflag:s17] =	ssyncadd.s32 $0xFFFFFF00  }
0x31: {  	[tilespmem:s19], [sflag:$0x3] =	stream.indirect.gather [hbm4b:s4+s18], $0x80, s3, s18, $0xb8;
	[tilespmem:$0x1C200] =	vst v63  }
0x32: {  	_ =	swait.ge [sflag:s23], $0x4000  }
0x33: {  	[sflag:s23] =	ssyncset.done $0x0  }
0x34: {  	s31 =	sadd.s32 $0x0, s12;
	[sflag:s23] =	ssyncadd.s32 $0xFFFFC000  }
0x35: {  	[tilespmem:s16], [sflag:$0x2] =	stream.linear.gather [hbm4b:s31+s3], $0x100, $0x38;
	[tilespmem:$0x1C200] =	vst v63  }
0x36: {  	_ = 	snop  }
0x37: {  	[spmem:s2] =	stream.indirect.scatter.add.f32 [tilespmem:s21], [sflag:$0x5], $0x80, s24, s18, $0xb8;
	[tilespmem:$0x1C200] =	vst v63  }
0x38: {  	_ =	swait.ge [sflag:s15], $0x4000  }
0x39: {  	[sflag:s15] =	ssyncset.done $0x0  }
0x3a: {  	[sflag:s15] =	ssyncadd.s32 $0xFFFFC000  }
0x3b: {  	_ =	swait.ge [sflag:s20], $0x100  }
0x3c: {  	[sflag:s20] =	ssyncset.done $0x0  }
0x3d: {  	s28 =	sadd.s32 $0x200, s13;
	s26 =	simm.s32 $0x40;
	[sflag:s20] =	ssyncadd.s32 $0xFFFFFF00  }
.LBB2_2:
0x3e: {  	[tilespmem:s21], [sflag:$0x4] =	stream.indirect.gather [hbm4b:s4+s18], $0x80, s16, s18, $0xb8;
	[tilespmem:$0x1C200] =	vst v63  }
0x3f: {  	s29 =	smov.u32 s26  }
0x40: {  	p0 =	sne.s32 s26, $0x9C0;
	s26 =	sadd.s32 $0x40, s26;
	_ =	swait.ge [sflag:s22], $0x4000  }
0x41: {  	s30 =	sshrl.u32 s28, $0x3;
	[sflag:s22] =	ssyncset.done $0x0  }
0x42: {  	s30 =	sadd.s32 s5, s30;
	[sflag:s22] =	ssyncadd.s32 $0xFFFFC000  }
0x43: {  	[tilespmem:s3], [sflag:$0x1] =	stream.linear.gather [hbm4b:s30+s3], $0x100, $0x38;
	[tilespmem:$0x1C200] =	vst v63  }
0x44: {  	_ = 	snop  }
0x45: {  	[spmem:s2] =	stream.indirect.scatter.add.f32 [tilespmem:s19], [sflag:$0x5], $0x80, s18, s18, $0xb8;
	[tilespmem:$0x1C200] =	vst v63  }
0x46: {  	_ =	swait.ge [sflag:s15], $0x4000  }
0x47: {  	[sflag:s15] =	ssyncset.done $0x0  }
0x48: {  	[sflag:s15] =	ssyncadd.s32 $0xFFFFC000  }
0x49: {  	_ =	swait.ge [sflag:s17], $0x100  }
0x4a: {  	[sflag:s17] =	ssyncset.done $0x0  }
0x4b: {  	[sflag:s17] =	ssyncadd.s32 $0xFFFFFF00  }
0x4c: {  	[tilespmem:s19], [sflag:$0x3] =	stream.indirect.gather [hbm4b:s4+s18], $0x80, s3, s18, $0xb8;
	[tilespmem:$0x1C200] =	vst v63  }
0x4d: {  	_ =	swait.ge [sflag:s23], $0x4000  }
0x4e: {  	[sflag:s23] =	ssyncset.done $0x0  }
0x4f: {  	s29 =	sadd.s32 s29, s12;
	[sflag:s23] =	ssyncadd.s32 $0xFFFFC000  }
0x50: {  	[tilespmem:s16], [sflag:$0x2] =	stream.linear.gather [hbm4b:s29+s3], $0x100, $0x38;
	[tilespmem:$0x1C200] =	vst v63  }
0x51: {  	_ = 	snop  }
0x52: {  	[spmem:s2] =	stream.indirect.scatter.add.f32 [tilespmem:s21], [sflag:$0x5], $0x80, s24, s18, $0xb8;
	[tilespmem:$0x1C200] =	vst v63  }
0x53: {  	_ =	swait.ge [sflag:s15], $0x4000  }
.Ltmp0:
0x54: {  	[sflag:s15] =	ssyncset.done $0x0;
	(pc) =	sbr.rel @p0 .LBB2_2-.Ltmp0, $4  }
0x55: {  	[sflag:s15] =	ssyncadd.s32 $0xFFFFC000  }
0x56: {  	_ =	swait.ge [sflag:s20], $0x100  }
0x57: {  	[sflag:s20] =	ssyncset.done $0x0  }
0x58: {  	s28 =	sadd.s32 $0x200, s28;
	[sflag:s20] =	ssyncadd.s32 $0xFFFFFF00  }
0x59: {  	[tilespmem:s21], [sflag:$0x4] =	stream.indirect.gather [hbm4b:s4+s18], $0x80, s16, s18, $0xb8;
	[tilespmem:$0x1C200] =	vst v63  }
0x5a: {  	_ =	swait.ge [sflag:s22], $0x4000  }
0x5b: {  	[sflag:s22] =	ssyncset.done $0x0  }
0x5c: {  	[sflag:s22] =	ssyncadd.s32 $0xFFFFC000  }
0x5d: {  	_ =	swait.ge [sflag:s23], $0x4000  }
0x5e: {  	s25 =	sadd.s32 $0x1, s25;
	[sflag:s23] =	ssyncset.done $0x0  }
0x5f: {  	p0 =	sne.s32 s25, s11;
	[sflag:s23] =	ssyncadd.s32 $0xFFFFC000  }
.Ltmp1:
0x60: {  	[bflag:$0x0] =	sbarrier.arrive $0xFFFF;
	(pc) =	sbr.rel @p0 .LBB2_1-.Ltmp1, $4  }
0x61: {  	[hbm:s10], [sflag:s7] =	dma.local [spmem:s14], $0x2800  }
0x62: {  	_ =	swait.ge [sflag:s15], $0x2800  }
0x63: {  	[sflag:s15] =	ssyncset.done $0x0  }
0x64: {  	[sflag:s15] =	ssyncadd.s32 $0xFFFFD800  }
0x65: {  	_ =	sfence.sel $0x180000  }
0x66: {  	[bflag:$0x0] =	sbarrier.arrive $0xFFFF  }
0x67: {  	p0 =	sne.s32 s1, $0x0;
	_ =	strace $0x9000004D  }
0x68: {  	s0 =	sadd.s32 @!p0 $0x100000, s0;
	[bflag:$0x2] =	sbarrier.arrive $0xFFFF  }
0x69: {  	[sflag:s0] =	ssyncadd.tile.s32 @!p0 $0x1;
	_ =	shalt  }
.Lfunc_end2:
_tile_overlayer_lowered:
.L_overlay_start_2:
0x6a: {  	(tag) =	ssettag $0x2  }
0x6b: {  	s0 =	rddreg [dreg:$0x0];
	s2 =	stileid.u32  }
0x6c: {  	s1 =	rddreg [dreg:$0x1];
	p0 =	sne.s32 s2, $0x0  }
0x6d: {  	s3 =	rddreg [dreg:$0x2];
	[bflag:$0x3] =	sbarrier.arrive $0xFFFF;
	s2 =	simm.s32 @!p0 $0x1C05  }
0x6e: {  	[timem:s3], [sflag:s2] =	dma.local @!p0 [hbm:s0], s1  }
0x6f: {  	s0 =	simm.s32 @!p0 $0x5  }
0x70: {  	_ =	swait.ge @!p0 [sflag:s0], s1  }
0x71: {  	s1 =	ssub.s32 @!p0 $0x0, s1;
	[sflag:s0] =	ssyncset.done @!p0 $0x0  }
0x72: {  	[sflag:s0] =	ssyncadd.s32 @!p0 s1  }
0x73: {  	[bflag:$0x3] =	sbarrier.arrive $0xFFFF  }
0x74: {  	_ =	shalt  }

// kernel: kernel.8.cloned.1.call-start
scs
__scs_entry_jumppad:
0x0: {  	(pc) =	sbr.rel $0x88, $3  }
0x1: {  	(tag) =	ssettag $0x0;
	lr =	simm.s32 $0x1  }
0x2: {  	[smem:$0x3F98] =	sst lr;
	_ =	strace $0xD0000000  }
0x3: {  	_ = 	snop  }
0x4: {  	_ = 	snop  }
0x5: {  	_ = 	snop  }
0x6: {  	_ = 	snop  }
0x7: {  	_ = 	snop  }
__scs_overlays_trampoline_lowered:
0x8: {  	[smem:$0x3FA7] =	sst s0  }
0x9: {  	[smem:$0x3FA8] =	sst s1  }
0xa: {  	[smem:$0x3FA9] =	sst s2  }
0xb: {  	[smem:$0x3FAA] =	sst s3  }
0xc: {  	[smem:$0x3FAB] =	sst s4  }
0xd: {  	[smem:$0x3FAC] =	sst s5  }
0xe: {  	[smem:$0x3FAD] =	sst s6  }
0xf: {  	[smem:$0x3FAE] =	sst s7  }
0x10: {  	[smem:$0x3FAF] =	sst s8  }
0x11: {  	[smem:$0x3FB0] =	sst s9;
	s0 =	simm.s32 @!p0 $0x0  }
0x12: {  	s1 =	sld [smem:$0x3F96];
	s0 =	simm.s32 @p0 $0x1  }
0x13: {  	[smem:$0x3FB1] =	sst s0;
	s0 =	simm.s32 @!p1 $0x0  }
0x14: {  	s2 =	sld [smem:$0x3F95];
	s0 =	simm.s32 @p1 $0x1  }
0x15: {  	[smem:$0x3FB2] =	sst s0;
	s0 =	simm.s32 @!p2 $0x0  }
0x16: {  	s3 =	sld [smem:$0x3FDB];
	s0 =	simm.s32 @p2 $0x1  }
0x17: {  	s4 =	simm.s32 $0x1BF5;
	[smem:$0x3FB4] =	sst s0  }
0x18: {  	s0 =	sld [smem:$0x3F97];
	_ =	swait.ge [sflag:s4], $0x0  }
0x19: {  	s7 =	sld [smem:$0x3F98]  }
0x1a: {  	s8 =	sadd.s32 $0xFFFFE003, lr  }
0x1b: {  	s9 =	sadd.s32 $0xFFFFFEF7, lr;
	s5 =	simm.s32 $0xFFFFFFFF;
	p2 =	slt.u32 s8, $0xFFFFF086  }
0x1c: {  	p1 =	slt.u32 s9, $0xF7A;
	s5 =	simm.s32 @!p2 $0x0  }
0x1d: {  	s5 =	simm.s32 @p1 $0x1;
	p0 =	seq.s32 s7, s2  }
0x1e: {  	s7 =	smul.u32 @!p0 $0xF7A, s2;
	p2 =	seq.s32 @!p0 s5, $0x0  }
0x1f: {  	s9 =	smul.u32 $0xF7A, s1;
	s8 =	simm.s32 @!p0 $0x1BF5;
	p2 =	por !p2, p0  }
0x20: {  	[sflag:s8] =	ssyncset.s32 @!p0 $0xFFFFF086;
	s6 =	sadd.s32 @!p0 s3, s7;
	s7 =	simm.s32 @!p0 $0x108  }
0x21: {  	s3 =	sadd.s32 s3, s9;
	s6 =	sadd.s32 @!p0 $0x88, s6;
	s7 =	simm.s32 @p2 $0x1082  }
0x22: {  	[simem:s7], [sflag:s8] =	dma.local @!p0 [hbm:s6], $0xF7A  }
0x23: {  	s9 =	sor.u32 $0xD0000000, s2;
	s6 =	simm.s32 $0x108;
	_ =	swait.ge @!p0 [sflag:s8], $0x0  }
0x24: {  	s3 =	sadd.s32 $0x88, s3;
	s6 =	simm.s32 @!p1 $0x1082;
	[sflag:s4] =	ssyncset.s32 $0xFFFFF086  }
0x25: {  	[simem:s6], [sflag:s4] =	dma.local [hbm:s3], $0xF7A  }
0x26: {  	[smem:$0x3F98] =	sst s1;
	(tag) =	ssettag s2;
	_ =	strace s9  }
0x27: {  	s1 =	sld [smem:$0x3FA8]  }
0x28: {  	s2 =	sld [smem:$0x3FA9]  }
0x29: {  	s4 =	sld [smem:$0x3FAB]  }
0x2a: {  	p0 =	seq.s32 s5, $0x0;
	s5 =	sld [smem:$0x3FAC]  }
0x2b: {  	s6 =	sld [smem:$0x3FAD]  }
0x2c: {  	s7 =	sld [smem:$0x3FAE]  }
0x2d: {  	s3 =	simm.s32 $0x108;
	s8 =	sld [smem:$0x3FAF]  }
0x2e: {  	s3 =	simm.s32 @!p0 $0x1082;
	s9 =	sld [smem:$0x3FB0]  }
0x2f: {  	lr =	sadd.s32 s0, s3;
	s0 =	sld [smem:$0x3FA7]  }
0x30: {  	s3 =	sld [smem:$0x3FAA]  }
0x31: {  	[smem:$0x3FB3] =	sst s10  }
0x32: {  	s10 =	sld [smem:$0x3FB1];
	_ =	sdelay $0x3  }
0x33: {  	p0 =	seq.s32 s10, $0x1;
	s10 =	sld [smem:$0x3FB3];
	_ =	sdelay $0x3  }
0x34: {  	[smem:$0x3FB3] =	sst s10  }
0x35: {  	s10 =	sld [smem:$0x3FB2];
	_ =	sdelay $0x3  }
0x36: {  	p1 =	seq.s32 s10, $0x1;
	s10 =	sld [smem:$0x3FB3];
	_ =	sdelay $0x3  }
0x37: {  	[smem:$0x3FB3] =	sst s10  }
0x38: {  	s10 =	sld [smem:$0x3FB4]  }
0x39: {  	_ = 	snop;
	(pc) =	sbr.ind lr, $3  }
0x3a: {  	_ = 	snop  }
0x3b: {  	_ = 	snop  }
0x3c: {  	p2 =	seq.s32 s10, $0x1;
	s10 =	sld [smem:$0x3FB3]  }
0x3d: {  	_ =	shalt  }
0x3e: {  	_ =	shalt  }
0x3f: {  	_ =	shalt  }
0x40: {  	_ =	shalt  }
0x41: {  	_ =	shalt  }
0x42: {  	_ =	shalt  }
0x43: {  	_ =	shalt  }
0x44: {  	_ =	shalt  }
0x45: {  	_ =	shalt  }
0x46: {  	_ =	shalt  }
0x47: {  	_ =	shalt  }
0x48: {  	_ =	shalt  }
0x49: {  	_ =	shalt  }
0x4a: {  	_ =	shalt  }
0x4b: {  	_ =	shalt  }
0x4c: {  	_ =	shalt  }
0x4d: {  	_ =	shalt  }
0x4e: {  	_ =	shalt  }
0x4f: {  	_ =	shalt  }
0x50: {  	_ =	shalt  }
0x51: {  	_ =	shalt  }
0x52: {  	_ =	shalt  }
0x53: {  	_ =	shalt  }
0x54: {  	_ =	shalt  }
0x55: {  	_ =	shalt  }
0x56: {  	_ =	shalt  }
0x57: {  	_ =	shalt  }
0x58: {  	_ =	shalt  }
0x59: {  	_ =	shalt  }
0x5a: {  	_ =	shalt  }
0x5b: {  	_ =	shalt  }
0x5c: {  	_ =	shalt  }
0x5d: {  	_ =	shalt  }
0x5e: {  	_ =	shalt  }
0x5f: {  	_ =	shalt  }
0x60: {  	_ =	shalt  }
0x61: {  	_ =	shalt  }
0x62: {  	_ =	shalt  }
0x63: {  	_ =	shalt  }
0x64: {  	_ =	shalt  }
0x65: {  	_ =	shalt  }
0x66: {  	_ =	shalt  }
0x67: {  	_ =	shalt  }
0x68: {  	_ =	shalt  }
0x69: {  	_ =	shalt  }
0x6a: {  	_ =	shalt  }
0x6b: {  	_ =	shalt  }
0x6c: {  	_ =	shalt  }
0x6d: {  	_ =	shalt  }
0x6e: {  	_ =	shalt  }
0x6f: {  	_ =	shalt  }
0x70: {  	_ =	shalt  }
0x71: {  	_ =	shalt  }
0x72: {  	_ =	shalt  }
0x73: {  	_ =	shalt  }
0x74: {  	_ =	shalt  }
0x75: {  	_ =	shalt  }
0x76: {  	_ =	shalt  }
0x77: {  	_ =	shalt  }
0x78: {  	_ =	shalt  }
0x79: {  	_ =	shalt  }
0x7a: {  	_ =	shalt  }
0x7b: {  	_ =	shalt  }
0x7c: {  	_ =	shalt  }
0x7d: {  	_ =	shalt  }
0x7e: {  	_ =	shalt  }
0x7f: {  	_ =	shalt  }
0x80: {  	_ =	shalt  }
0x81: {  	_ =	shalt  }
0x82: {  	_ =	shalt  }
0x83: {  	_ =	shalt  }
0x84: {  	_ =	shalt  }
0x85: {  	_ =	shalt  }
0x86: {  	_ =	shalt  }
0x87: {  	_ =	shalt  }
.Lfunc_end0:
.L_simem_size_0:
called_computation_lowered:
.L_overlay_start_0:
0x88: {  	s2 =	sld [smem:$0x3FD9]  }
0x89: {  	s3 =	sld [smem:$0x3FFE];
	_ =	sdelay $0x1  }
0x8a: {  	s1 =	srdreg.scid  }
0x8b: {  	s0 =	sand.u32 $0x1, s1  }
0x8c: {  	s16 =	sshll.u32 s0, $0xA;
	s2 =	sadd.s32 s3, s2  }
0x8d: {  	s2 =	sadd.s32 s2, s16  }
0x8e: {  	[smem:$0x3FBF] =	sst s2  }
0x8f: {  	_ = 	snop  }
0x90: {  	(tm) =	ssettm $0x1  }
0x91: {  	s17 =	sld [smem:$0x3FFB];
	_ =	sdelay $0x3  }
0x92: {  	_ =	strace s17  }
0x93: {  	s2 =	sld [smem:$0x3FFC];
	_ =	sdelay $0x3  }
0x94: {  	_ =	strace s2  }
0x95: {  	s2 =	sld [smem:$0x3FFD];
	_ =	sdelay $0x3  }
0x96: {  	_ =	strace s2  }
0x97: {  	_ =	strace $0x8FFFFFFF  }
0x98: {  	s18 =	sld [smem:$0x3FDB];
	_ =	sdelay $0x1  }
0x99: {  	s19 =	simm.s32 $_scs_section_size  }
0x9a: {  	s4 =	simm.s32 $_size__tile_overlayer_lowered;
	s5 =	simm.s32 $_tile_overlayer_lowered  }
0x9b: {  	s22 =	simm.s32 $0x1BFF;
	s21 =	sshll.u32 s5, $0x1;
	s2 =	sadd.s32 s19, s18  }
0x9c: {  	s6 =	simm.s32 $0x0;
	s20 =	sshll.u32 s4, $0x1;
	s4 =	sadd.s32 s21, s2  }
0x9d: {  	[timem:s6], [sflag:s22] =	dma.local [hbm:s4], s20  }
0x9e: {  	_ =	swait.ge [sflag:s22], s20  }
0x9f: {  	s3 =	ssub.s32 $0x0, s20;
	[sflag:s22] =	ssyncset.done $0x0  }
0xa0: {  	[sflag:s22] =	ssyncadd.s32 s3;
	_ =	sdelay $0x1  }
0xa1: {  	s23 =	simm.s32 $0x1B8B  }
0xa2: {  	_ =	swait.ge [sflag:s23], $0x1  }
0xa3: {  	[sflag:s23] =	ssyncset.done $0x0  }
0xa4: {  	s25 =	simm.s32 $0x1B8E;
	s24 =	sld [smem:$0x3FFE];
	[sflag:s23] =	ssyncadd.s32 $0xFFFFFFFF  }
0xa5: {  	s26 =	simm.s32 $execute0_lowered;
	[smem:$0x3FD2] =	sst s25  }
0xa6: {  	s4 =	sshll.u32 s26, $0x1;
	_ =	strace $0x80000046;
	[dreg:$0x1] =	wrdreg $0xFFFFFFFF  }
0xa7: {  	s28 =	simm.s32 $_size_execute0_lowered;
	s2 =	sadd.s32 s2, s4;
	[dreg:$0x0] =	wrdreg $0x0  }
0xa8: {  	s4 =	sshll.u32 s28, $0x1;
	[dreg:$0x2] =	wrdreg s2  }
0xa9: {  	[dreg:$0x3] =	wrdreg s4  }
0xaa: {  	[dreg:$0x4] =	wrdreg $0xC0  }
0xab: {  	_ =	task [dreg:s6], $0x5FFFF  }
0xac: {  	[dreg:$0x1] =	wrdreg $0xFFFFFFFF  }
0xad: {  	[dreg:$0x0] =	wrdreg $0x60  }
0xae: {  	[dreg:$0x2] =	wrdreg s24  }
0xaf: {  	[dreg:$0x3] =	wrdreg $0x9  }
0xb0: {  	_ =	task.clear_ibuf [dreg:s6], $0x4FFFF;
	_ =	strace $0x90000046  }
0xb1: {  	s29 =	simm.s32 $0x9;
	_ =	strace $0x80000048  }
0xb2: {  	_ =	swait.ge [sflag:s29], $0x1  }
0xb3: {  	[sflag:s29] =	ssyncadd.s32 $0xFFFFFFFF  }
0xb4: {  	_ =	strace $0x90000048  }
0xb5: {  	_ =	sfence  }
0xb6: {  	s30 =	sld [smem:$0x0];
	_ =	sdelay $0x2  }
0xb7: {  	s31 =	sshll.u32 s1, $0xD;
	s1 =	sshrl.u32 s1, $0x2  }
0xb8: {  	s3 =	sand.u32 $0x4000, s31;
	s1 =	sadd.s32 s1, s30  }
0xb9: {  	s0 =	sor.u32 s3, s0;
	s1 =	sshll.u32 s1, $0x11  }
0xba: {  	s0 =	sor.u32 s1, s0  }
0xbb: {  	s0 =	sadd.s32 $0x8F2B, s0  }
0xbc: {  	[sflag:s0] =	ssyncadd.remote.s32 $0x1  }
0xbd: {  	_ =	sfence.sel $0xFFFF  }
0xbe: {  	[dreg:$0x0] =	wrdreg $0xFFFFFFFF;
	(pc) =	sbr.abs _section_cstart, $3  }
0xbf: {  	[dreg:$0x1] =	wrdreg $0xFFFFFFFF  }
0xc0: {  	_ =	task.clear_ibuf [dreg:s6], $0x2FFFF;
	_ =	strace $0x9FFFFFFF  }
0xc1: {  	(tm) =	ssettm $0x7FFFFFFF  }
tec
execute0_lowered:
.L_overlay_start_1:
0x0: {  	(tag) =	ssettag $0x1  }
0x1: {  	s1 =	srdreg.scid  }
0x2: {  	s0 =	stileid.u32;
	s6 =	rddreg [dreg:$0x0];
	s13 =	simm.s32 $0x100  }
0x3: {  	s14 =	simm.s32 $0x1;
	s15 =	simm.s32 $0x2;
	s16 =	simm.s32 $0x80  }
0x4: {  	s17 =	simm.s32 $0x400;
	s18 =	simm.s32 $0x0;
	s5 =	sand.u32 $0x1, s1  }
0x5: {  	s24 =	sshll.u32 s0, $0x1;
	s2 =	sshrl.u32 s0, $0x2;
	s26 =	smul.u32 $0xA400, s0  }
0x6: {  	s1 =	rddreg [dreg:$0x1];
	s3 =	sor.u32 s5, s24;
	s4 =	smul.u32 $0x14000, s2  }
0x7: {  	s2 =	simm.s32 $0x0;
	s10 =	smul.u32 $0x5200, s5;
	s28 =	ssub.s32 $0x2, s5  }
0x8: {  	s7 =	sshll.u32 s3, $0x7;
	s8 =	smul.u32 $0x5200, s3;
	[smem:$0x7FF] =	sst s2  }
0x9: {  	s3 =	sadd.s32 $0x2800, s6;
	s30 =	sshrl.u32 s28, $0x1;
	s7 =	sand.u32 $0x380, s7  }
0xa: {  	_ =	strace $0x80000047;
	s10 =	sadd.s32 s10, s26;
	s11 =	ssub.s32 s28, s30  }
0xb: {  	s25 =	sor.u32 s4, s7;
	s4 =	sadd.s32 $0x17000, s6;
	s29 =	sshrl.u32 s8, $0x3  }
0xc: {  	s31 =	sadd.s32 $0x300, s10;
	s8 =	smax.u32 s11, $0x1;
	s10 =	sadd.s32 $0x200, s10  }
0xd: {  	s11 =	simm.s32 $0x200;
	s9 =	sshrl.u32 s25, $0x3;
	s5 =	sadd.s32 s3, s29  }
0xe: {  	s12 =	sshrl.u32 s31, $0x3;
	s9 =	sadd.s32 s9, s6;
	s6 =	sadd.s32 $0x20, s5  }
0xf: {  	v0 =	vimm.f32 $1.000000000e+00;
	s7 =	sadd.s32 $0x17600, s9;
	s9 =	sadd.s32 s12, s3;
	s12 =	simm.s32 $0x3  }
.LBB2_1:
0x10: {  	[tilespmem:s11], [sflag:$0x3] =	stream.linear.gather [hbm4b:s4+s2], $0x2800, $0x38;
	[tilespmem:$0x2A00] =	vst v63  }
0x11: {  	_ =	swait.ge [sflag:s12], $0x2800  }
0x12: {  	[sflag:s12] =	ssyncset.done $0x0  }
0x13: {  	[sflag:s12] =	ssyncadd.s32 $0xFFFFD800  }
0x14: {  	[tilespmem:s2], [sflag:$0x1] =	stream.linear.gather [hbm4b:s5+s2], $0x100, $0x38;
	[tilespmem:$0x2A00] =	vst v63  }
0x15: {  	s19 =	smov.u32 s10;
	s20 =	simm.s32 $0x0  }
0x16: {  	[tilespmem:s13], [sflag:$0x2] =	stream.linear.gather [hbm4b:s6+s2], $0x100, $0x38;
	[tilespmem:$0x2A00] =	vst v63  }
.LBB2_2:
0x17: {  	_ =	swait.ge [sflag:s14], $0x100  }
0x18: {  	[sflag:s14] =	ssyncset.done $0x0  }
0x19: {  	[sflag:s14] =	ssyncadd.s32 $0xFFFFFF00  }
0x1a: {  	v1 =	vld [tilespmem:$0x80];
	_ =	sdelay $0x7  }
0x1b: {  	[tilespmem:v1+s11+$0x0] =	vst.idx.add.f32.msk $0xffff, v0  }
0x1c: {  	v1 =	vld [tilespmem:$0x90];
	_ =	sdelay $0x7  }
0x1d: {  	[tilespmem:v1+s11+$0x0] =	vst.idx.add.f32.msk $0xffff, v0  }
0x1e: {  	v1 =	vld [tilespmem:$0xA0];
	_ =	sdelay $0x7  }
0x1f: {  	[tilespmem:v1+s11+$0x0] =	vst.idx.add.f32.msk $0xffff, v0  }
0x20: {  	v1 =	vld [tilespmem:$0xB0];
	_ =	sdelay $0x7  }
0x21: {  	[tilespmem:v1+s11+$0x0] =	vst.idx.add.f32.msk $0xffff, v0  }
0x22: {  	v1 =	vld [tilespmem:$0xC0];
	_ =	sdelay $0x7  }
0x23: {  	[tilespmem:v1+s11+$0x0] =	vst.idx.add.f32.msk $0xffff, v0  }
0x24: {  	v1 =	vld [tilespmem:$0xD0];
	_ =	sdelay $0x7  }
0x25: {  	[tilespmem:v1+s11+$0x0] =	vst.idx.add.f32.msk $0xffff, v0  }
0x26: {  	v1 =	vld [tilespmem:$0xE0];
	_ =	sdelay $0x7  }
0x27: {  	[tilespmem:v1+s11+$0x0] =	vst.idx.add.f32.msk $0xffff, v0  }
0x28: {  	v1 =	vld [tilespmem:$0xF0];
	_ =	sdelay $0x6  }
0x29: {  	s21 =	sshrl.u32 s19, $0x3  }
0x2a: {  	s21 =	sadd.s32 s3, s21;
	[tilespmem:v1+s11+$0x0] =	vst.idx.add.f32.msk $0xffff, v0  }
0x2b: {  	[tilespmem:s2], [sflag:$0x1] =	stream.linear.gather [hbm4b:s21+s2], $0x100, $0x38;
	[tilespmem:$0x2A00] =	vst v63  }
0x2c: {  	_ =	swait.ge [sflag:s15], $0x100  }
0x2d: {  	[sflag:s15] =	ssyncset.done $0x0  }
0x2e: {  	[sflag:s15] =	ssyncadd.s32 $0xFFFFFF00  }
0x2f: {  	v1 =	vld [tilespmem:$0x180];
	_ =	sdelay $0x7  }
0x30: {  	[tilespmem:v1+s11+$0x0] =	vst.idx.add.f32.msk $0xffff, v0  }
0x31: {  	v1 =	vld [tilespmem:$0x190];
	_ =	sdelay $0x7  }
0x32: {  	[tilespmem:v1+s11+$0x0] =	vst.idx.add.f32.msk $0xffff, v0  }
0x33: {  	v1 =	vld [tilespmem:$0x1A0];
	_ =	sdelay $0x7  }
0x34: {  	[tilespmem:v1+s11+$0x0] =	vst.idx.add.f32.msk $0xffff, v0  }
0x35: {  	v1 =	vld [tilespmem:$0x1B0];
	_ =	sdelay $0x7  }
0x36: {  	[tilespmem:v1+s11+$0x0] =	vst.idx.add.f32.msk $0xffff, v0  }
0x37: {  	v1 =	vld [tilespmem:$0x1C0];
	_ =	sdelay $0x7  }
0x38: {  	[tilespmem:v1+s11+$0x0] =	vst.idx.add.f32.msk $0xffff, v0  }
0x39: {  	v1 =	vld [tilespmem:$0x1D0];
	_ =	sdelay $0x7  }
0x3a: {  	[tilespmem:v1+s11+$0x0] =	vst.idx.add.f32.msk $0xffff, v0  }
0x3b: {  	v1 =	vld [tilespmem:$0x1E0];
	_ =	sdelay $0x7  }
0x3c: {  	[tilespmem:v1+s11+$0x0] =	vst.idx.add.f32.msk $0xffff, v0  }
0x3d: {  	v1 =	vld [tilespmem:$0x1F0];
	_ =	sdelay $0x3  }
0x3e: {  	p0 =	sne.s32 s20, $0x9C0  }
.Ltmp0:
0x3f: {  	_ = 	snop;
	(pc) =	sbr.rel @p0 .LBB2_2-.Ltmp0, $3  }
0x40: {  	_ =	sdelay $0x1  }
0x41: {  	s31 =	sadd.s32 s20, s9;
	s19 =	sadd.s32 $0x200, s19;
	s20 =	sadd.s32 $0x40, s20;
	[tilespmem:v1+s11+$0x0] =	vst.idx.add.f32.msk $0xffff, v0  }
0x42: {  	[tilespmem:s13], [sflag:$0x2] =	stream.linear.gather [hbm4b:s31+s2], $0x100, $0x38;
	[tilespmem:$0x2A00] =	vst v63  }
0x43: {  	_ =	swait.ge [sflag:s14], $0x100  }
0x44: {  	[sflag:s14] =	ssyncset.done $0x0  }
0x45: {  	[sflag:s14] =	ssyncadd.s32 $0xFFFFFF00  }
0x46: {  	s18 =	sadd.s32 $0x1, s18;
	_ =	swait.ge [sflag:s15], $0x100  }
0x47: {  	p0 =	sne.s32 s18, s8;
	[sflag:s15] =	ssyncset.done $0x0  }
.Ltmp1:
0x48: {  	[sflag:s15] =	ssyncadd.s32 $0xFFFFFF00;
	(pc) =	sbr.rel @p0 .LBB2_1-.Ltmp1, $4  }
0x49: {  	[hbm4b:s7+s16] =	stream.strided.scatter [tilespmem:s11], [sflag:$0x3], $0x2800, s17, s16, $0x38;
	[tilespmem:$0x2A00] =	vst v63  }
0x4a: {  	_ =	swait.ge [sflag:s12], $0x2800  }
0x4b: {  	[sflag:s12] =	ssyncset.done $0x0  }
0x4c: {  	[sflag:s12] =	ssyncadd.s32 $0xFFFFD800  }
0x4d: {  	_ =	sfence.sel $0x180000  }
0x4e: {  	[bflag:$0x0] =	sbarrier.arrive $0xFFFF  }
0x4f: {  	p0 =	sne.s32 s0, $0x0;
	_ =	strace $0x90000047  }
0x50: {  	s0 =	sadd.s32 @!p0 $0x100000, s1;
	[bflag:$0x2] =	sbarrier.arrive $0xFFFF  }
0x51: {  	[sflag:s0] =	ssyncadd.tile.s32 @!p0 $0x1;
	_ =	shalt  }
.Lfunc_end2:
_tile_overlayer_lowered:
.L_overlay_start_2:
0x52: {  	(tag) =	ssettag $0x2  }
0x53: {  	s0 =	rddreg [dreg:$0x0];
	s2 =	stileid.u32  }
0x54: {  	s1 =	rddreg [dreg:$0x1];
	p0 =	sne.s32 s2, $0x0  }
0x55: {  	s3 =	rddreg [dreg:$0x2];
	[bflag:$0x3] =	sbarrier.arrive $0xFFFF;
	s2 =	simm.s32 @!p0 $0x1C03  }
0x56: {  	[timem:s3], [sflag:s2] =	dma.local @!p0 [hbm:s0], s1  }
0x57: {  	s0 =	simm.s32 @!p0 $0x3  }
0x58: {  	_ =	swait.ge @!p0 [sflag:s0], s1  }
0x59: {  	s1 =	ssub.s32 @!p0 $0x0, s1;
	[sflag:s0] =	ssyncset.done @!p0 $0x0  }
0x5a: {  	[sflag:s0] =	ssyncadd.s32 @!p0 s1  }
0x5b: {  	[bflag:$0x3] =	sbarrier.arrive $0xFFFF  }
0x5c: {  	_ =	shalt  }

</sc_bundles>
